<compile_context>
chip_gen: v7x
topology: tpu7x:2x2x1
jax: 0.10.2.dev20260603
libtpu: 0.0.44.dev20260713+nightly
codegen_flags: <defaults>
</compile_context>

<pallas_src>
import functools

import jax
import jax.numpy as jnp
from jax import lax
from jax.experimental import pallas as pl
from jax.experimental.pallas import tpu as pltpu
from jax.experimental.pallas import tpu_sc as plsc

NC = 2
NS = 16
NW = NC * NS
K = 128
NX = 32
CH = 48


def _deg_build(n, n_acc, epw):
  nchunks = epw // K
  main = (n_acc // NS) // 8 * 8
  tail = n_acc - main * NS
  mainw = (n // NS) // 8 * 8
  tailw = n - mainw * NS
  assert nchunks >= 5 and tail >= 0 and tailw >= 0
  mesh = plsc.VectorSubcoreMesh(core_axis_name="c", subcore_axis_name="s")

  @functools.partial(
      pl.kernel,
      out_type=jax.ShapeDtypeStruct((NC * n,), jnp.float32),
      mesh=mesh,
      scratch_types=[
          pltpu.VMEM((epw // K, K), jnp.int32),
          pltpu.VMEM((K,), jnp.float32),
          pltpu.VMEM((main,), jnp.float32),
          pltpu.VMEM_SHARED((n_acc,), jnp.float32),
          pltpu.SemaphoreType.DMA,
      ],
  )
  def deg_kernel(dst_hbm, ones_hbm, zeros_hbm, out_hbm,
                 didx_all, ones_v, stage, deg_sh, ssem):
    cid = lax.axis_index("c")
    sid = lax.axis_index("s")
    wid = cid * NS + sid

    pltpu.sync_copy(zeros_hbm, stage)
    pltpu.sync_copy(stage, deg_sh.at[pl.ds(sid * main, main)])
    if tail:
      @pl.when(sid == NS - 1)
      def _():
        pltpu.sync_copy(stage.at[pl.ds(0, tail)],
                        deg_sh.at[pl.ds(main * NS, tail)])
    pltpu.sync_copy(ones_hbm, ones_v)
    pltpu.sync_copy(dst_hbm.at[wid], didx_all)
    plsc.subcore_barrier()

    DEPTH = 8

    def start_scat(c):
      pltpu.async_copy(ones_v, deg_sh.at[didx_all.at[c]], ssem, add=True)

    def wait_one():
      pltpu.make_async_copy(ones_v, deg_sh.at[didx_all.at[0]], ssem).wait()

    for c in range(DEPTH):
      start_scat(c)

    def body(c, carry):
      wait_one()
      start_scat(c)
      return carry

    lax.fori_loop(DEPTH, nchunks, body, 0)
    for _ in range(DEPTH):
      wait_one()
    plsc.subcore_barrier()

    pltpu.sync_copy(deg_sh.at[pl.ds(sid * mainw, mainw)], stage.at[pl.ds(0, mainw)])
    pltpu.sync_copy(stage.at[pl.ds(0, mainw)],
                    out_hbm.at[pl.ds(cid * n + sid * mainw, mainw)])
    if tailw:
      @pl.when(sid == NS - 1)
      def _():
        pltpu.sync_copy(deg_sh.at[pl.ds(mainw * NS, tailw)],
                        stage.at[pl.ds(0, tailw)])
        pltpu.sync_copy(stage.at[pl.ds(0, tailw)],
                        out_hbm.at[pl.ds(cid * n + mainw * NS, tailw)])

  return deg_kernel


def _agg_build(n, n_acc, epw, d):
  nchunks = epw // K
  main = (n_acc // NS) // 8 * 8
  tail = n_acc - main * NS
  mainw = (n // NS) // 8 * 8
  tailw = n - mainw * NS
  assert nchunks % 2 == 1 and nchunks >= 5
  assert mainw % CH == 0 and tailw <= CH and tail <= CH
  phase = (nchunks // 2 + 1) // 2 * 2
  half = max(phase, nchunks - phase) * K
  reload_i = (phase - 2) // 2
  mesh = plsc.VectorSubcoreMesh(core_axis_name="c", subcore_axis_name="s")

  @functools.partial(
      pl.kernel,
      out_type=jax.ShapeDtypeStruct((NC, n, d), jnp.float32),
      mesh=mesh,
      scratch_types=[
          pltpu.VMEM((half,), jnp.int32),
          pltpu.VMEM((epw // K, K), jnp.int32),
          pltpu.VMEM((2, K, d), jnp.float32),
          pltpu.VMEM_SHARED((n_acc, d), jnp.float32),
          pltpu.SemaphoreType.DMA,
          pltpu.SemaphoreType.DMA,
          pltpu.SemaphoreType.DMA,
          pltpu.SemaphoreType.DMA,
      ],
  )
  def agg_kernel(src_hbm, dst_hbm, y_hbm, zeros_hbm, out_hbm,
                 sidx_half, didx_all, rows, acc,
                 gsem0, gsem1, ssem0, ssem1):
    cid = lax.axis_index("c")
    sid = lax.axis_index("s")
    wid = cid * NS + sid
    stage = rows.at[0, pl.ds(0, CH)]

    pltpu.sync_copy(zeros_hbm, stage)

    def zbody(j, carry):
      pltpu.sync_copy(stage, acc.at[pl.ds(sid * main + j * CH, CH)])
      return carry

    lax.fori_loop(0, main // CH, zbody, 0)
    if tail:
      @pl.when(sid == NS - 1)
      def _():
        pltpu.sync_copy(rows.at[0, pl.ds(0, tail)],
                        acc.at[pl.ds(main * NS, tail)])

    pltpu.sync_copy(src_hbm.at[pl.ds(wid * epw, phase * K)],
                    sidx_half.at[pl.ds(0, phase * K)])
    pltpu.sync_copy(dst_hbm.at[wid], didx_all)
    plsc.subcore_barrier()

    r0, r1 = rows.at[0], rows.at[1]

    def start_gather(c, rb, sem):
      off = jnp.where(c < phase, c * K, (c - phase) * K)
      pltpu.async_copy(y_hbm.at[sidx_half.at[pl.ds(off, K)]], rb, sem)

    def wait_gather(rb, sem):
      pltpu.make_async_copy(y_hbm.at[sidx_half.at[pl.ds(0, K)]], rb, sem).wait()

    def start_scat(c, rb, sem):
      pltpu.async_copy(rb, acc.at[didx_all.at[c]], sem, add=True)

    def wait_scat(rb, sem):
      pltpu.make_async_copy(rb, acc.at[didx_all.at[0]], sem).wait()

    start_gather(0, r0, gsem0)
    wait_gather(r0, gsem0)
    start_scat(0, r0, ssem0)
    start_gather(1, r1, gsem1)
    wait_gather(r1, gsem1)
    start_scat(1, r1, ssem1)
    wait_scat(r0, ssem0)
    start_gather(2, r0, gsem0)

    def body(i, carry):
      a = 2 * i
      wait_scat(r1, ssem1)
      start_gather(a + 1, r1, gsem1)
      wait_gather(r0, gsem0)
      start_scat(a, r0, ssem0)
      wait_gather(r1, gsem1)

      @pl.when(i == reload_i)
      def _():
        pltpu.sync_copy(
            src_hbm.at[pl.ds(wid * epw + phase * K, (nchunks - phase) * K)],
            sidx_half.at[pl.ds(0, (nchunks - phase) * K)])

      start_scat(a + 1, r1, ssem1)
      wait_scat(r0, ssem0)
      start_gather(a + 2, r0, gsem0)
      return carry

    lax.fori_loop(1, (nchunks - 1) // 2, body, 0)
    wait_gather(r0, gsem0)
    start_scat(nchunks - 1, r0, ssem0)
    wait_scat(r1, ssem1)
    wait_scat(r0, ssem0)
    plsc.subcore_barrier()

    def wbody(j, carry):
      off = sid * mainw + j * CH
      pltpu.sync_copy(acc.at[pl.ds(off, CH)], stage)
      pltpu.sync_copy(stage, out_hbm.at[cid, pl.ds(off, CH)])
      return carry

    lax.fori_loop(0, mainw // CH, wbody, 0)
    if tailw:
      @pl.when(sid == NS - 1)
      def _():
        pltpu.sync_copy(acc.at[pl.ds(mainw * NS, tailw)],
                        rows.at[0, pl.ds(0, tailw)])
        pltpu.sync_copy(rows.at[0, pl.ds(0, tailw)],
                        out_hbm.at[cid, pl.ds(mainw * NS, tailw)])

  return agg_kernel


def _linear(x, wt, degp_t):
  n, din = x.shape
  dout = wt.shape[1]
  rows = 1000

  def body(x_ref, wt_ref, dp_ref, y_ref):
    deg = dp_ref[:, 0:1] + dp_ref[:, 1:2]
    dis = jnp.where(deg > 0, lax.rsqrt(jnp.where(deg > 0, deg, 1.0)), 0.0)
    y_ref[...] = jnp.dot(x_ref[...] * dis, wt_ref[...],
                         preferred_element_type=jnp.float32)

  return pl.pallas_call(
      body,
      grid=(n // rows,),
      in_specs=[
          pl.BlockSpec((rows, din), lambda i: (i, 0)),
          pl.BlockSpec((din, dout), lambda i: (0, 0)),
          pl.BlockSpec((rows, NC), lambda i: (i, 0)),
      ],
      out_specs=pl.BlockSpec((rows, dout), lambda i: (i, 0)),
      out_shape=jax.ShapeDtypeStruct((n, dout), jnp.float32),
  )(x, wt, degp_t)


def _finalize(p0, p1, degp_t, b2):
  n, dout = p0.shape
  rows = 1000

  def body(p0_ref, p1_ref, dp_ref, b_ref, o_ref):
    deg = dp_ref[:, 0:1] + dp_ref[:, 1:2]
    dis = jnp.where(deg > 0, lax.rsqrt(jnp.where(deg > 0, deg, 1.0)), 0.0)
    o_ref[...] = (p0_ref[...] + p1_ref[...]) * dis + b_ref[...]

  return pl.pallas_call(
      body,
      grid=(n // rows,),
      in_specs=[
          pl.BlockSpec((rows, dout), lambda i: (i, 0)),
          pl.BlockSpec((rows, dout), lambda i: (i, 0)),
          pl.BlockSpec((rows, NC), lambda i: (i, 0)),
          pl.BlockSpec((1, dout), lambda i: (0, 0)),
      ],
      out_specs=pl.BlockSpec((rows, dout), lambda i: (i, 0)),
      out_shape=jax.ShapeDtypeStruct((n, dout), jnp.float32),
  )(p0, p1, degp_t, b2)


def kernel(input_feature, edge_index, W, b):
  x = input_feature
  n, _ = x.shape
  dout = W.shape[0]
  e = edge_index.shape[1]
  assert n % NS == 0 and (n + NX) % 8 == 0

  epw0 = -(-e // NW)
  nchunks = -(-epw0 // K)
  if nchunks % 2 == 0:
    nchunks += 1
  epw = nchunks * K
  pad = NW * epw - e
  n_acc = n + NX
  if pad:
    ar = jnp.arange(pad, dtype=jnp.int32)
    src1 = jnp.concatenate([edge_index[0], (ar * 7919) % n])
    dstp = jnp.concatenate([edge_index[1], n + (ar % NX)])
  else:
    src1 = edge_index[0]
    dstp = edge_index[1]
  dst3 = jnp.reshape(dstp, (NW, nchunks, K))
  main = ((n + NX) // NS) // 8 * 8

  ones = jnp.ones((K,), jnp.float32)
  zeros1 = jnp.zeros((main,), jnp.float32)
  zeros2 = jnp.zeros((CH, dout), jnp.float32)

  degp = _deg_build(n, n_acc, epw)(dst3, ones, zeros1)
  degp_t = jnp.reshape(degp, (NC, n)).T
  y = _linear(x, W.T, degp_t)
  p = _agg_build(n, n_acc, epw, dout)(src1, dst3, y, zeros2)
  return _finalize(p[0], p[1], degp_t, jnp.reshape(b, (1, dout)))

# --- scband reference (transcript-rebuilt; emitter-appended) ---
"""Pipeline reference for scband-graph-convolution-network-conv-51135880626289 (READ-ONLY COPY).

The authoritative reference and input builder live on the scoring server;
editing this copy changes nothing except your own understanding.
"""

import jax, jax.numpy as jnp
import numpy as np

N_NODES = 10000
N_EDGES = 320000
D_IN = 128
D_OUT = 128


def setup_inputs(seed: int = 0) -> dict:
    key = jax.random.key(seed)
    k1, k2, k3 = jax.random.split(key, 3)
    x = jax.random.normal(k1, (N_NODES, D_IN), dtype=jnp.float32)
    edge_index = jax.random.randint(k2, (2, N_EDGES), 0, N_NODES, dtype=jnp.int32)
    # PyG GCNConv params: linear weight [out, in] (glorot) and bias [out] (zeros)
    limit = float(np.sqrt(6.0 / (D_IN + D_OUT)))
    W = jax.random.uniform(k3, (D_OUT, D_IN), minval=-limit, maxval=limit, dtype=jnp.float32)
    b = jnp.zeros((D_OUT,), dtype=jnp.float32)
    return {"input_feature": x, "edge_index": edge_index, "W": W, "b": b}


def reference(input_feature, edge_index, W, b):
    # GCNConv with add_self_loops=False:
    # 1) linear transform, 2) symmetric degree normalization, 3) scatter-add aggregation, 4) bias
    n = input_feature.shape[0]
    src = edge_index[0]
    dst = edge_index[1]
    xw = input_feature @ W.T
    ones = jnp.ones((src.shape[0],), dtype=xw.dtype)
    deg = jax.ops.segment_sum(ones, dst, num_segments=n)
    deg_inv_sqrt = jnp.where(deg > 0, jax.lax.rsqrt(jnp.where(deg > 0, deg, 1.0)), 0.0)
    norm = deg_inv_sqrt[src] * deg_inv_sqrt[dst]
    messages = norm[:, None] * jnp.take(xw, src, axis=0)
    out = jax.ops.segment_sum(messages, dst, num_segments=n)
    return out + b

if __name__ == "__main__":
    import jax
    _d = setup_inputs()
    print(jax.jit(kernel)(*tuple(_d.values())))

</pallas_src>

<mosaic_0001>
#map = affine_map<(d0, d1) -> (0, 0, 0)>
#map1 = affine_map<(d0, d1) -> (0)>
module attributes {stable_mosaic.version = 14 : i64} {
  func.func @deg_kernel(%arg0: i32, %arg1: i32, %arg2: memref<32x79x128xi32, #tpu.memory_space<hbm>>, %arg3: memref<128xf32, #tpu.memory_space<hbm>>, %arg4: memref<624xf32, #tpu.memory_space<hbm>>, %arg5: memref<20000xf32, #tpu.memory_space<hbm>>, %arg6: memref<79x128xi32, #tpu.memory_space<vmem>>, %arg7: memref<128xf32, #tpu.memory_space<vmem>>, %arg8: memref<624xf32, #tpu.memory_space<vmem>>, %arg9: memref<10032xf32, #tpu.memory_space<vmem_shared>>, %arg10: memref<!tpu.dma_semaphore, #tpu.memory_space<semaphore_mem>>) attributes {dimension_semantics = [#tpu.dimension_semantics<core_parallel>, #tpu.dimension_semantics<subcore_parallel>], iteration_bounds = array<i64: 2, 16>, scalar_prefetch = 0 : i64, scratch_operands = 5 : i64, tpu.core_type = #tpu.core_type<sc_vector_subcore>, window_params = [{transform_indices = #map}, {transform_indices = #map1}, {transform_indices = #map1}, {transform_indices = #map1}]} {
    %mul3A = arith.constant 16 : i32
    %mul3A_0 = arith.muli %arg0, %mul3A : i32
    %add3A = arith.addi %mul3A_0, %arg1 : i32
    "tpu.region"() ({
      %run_scoped3A = tpu.sem_alloc : memref<!tpu.dma_semaphore, #tpu.memory_space<semaphore_mem>>
      tpu.enqueue_dma source(%arg4 : memref<624xf32, #tpu.memory_space<hbm>>) target(%arg8 : memref<624xf32, #tpu.memory_space<vmem>>) target_semaphore(%run_scoped3A : memref<!tpu.dma_semaphore, #tpu.memory_space<semaphore_mem>>)
      tpu.wait_dma2 semaphore(%run_scoped3A : memref<!tpu.dma_semaphore, #tpu.memory_space<semaphore_mem>>) src(%arg4 : memref<624xf32, #tpu.memory_space<hbm>>) dst(%arg8 : memref<624xf32, #tpu.memory_space<vmem>>)
      tpu.yield
    }) : () -> ()
    %mul3A_1 = arith.constant 624 : i32
    %mul3A_2 = arith.muli %arg1, %mul3A_1 : i32
    "tpu.region"() ({
      %run_scoped3A = tpu.sem_alloc : memref<!tpu.dma_semaphore, #tpu.memory_space<semaphore_mem>>
      %dma_start3A_117 = tpu.memref_slice %arg9[%mul3A_2] : memref<10032xf32, #tpu.memory_space<vmem_shared>> -> memref<624xf32, #tpu.memory_space<vmem_shared>>
      %dma_start3A_118 = tpu.memref_slice %arg9[%mul3A_2] : memref<10032xf32, #tpu.memory_space<vmem_shared>> -> memref<624xf32, #tpu.memory_space<vmem_shared>>
      tpu.enqueue_dma source(%arg8 : memref<624xf32, #tpu.memory_space<vmem>>) target(%dma_start3A_118 : memref<624xf32, #tpu.memory_space<vmem_shared>>) target_semaphore(%run_scoped3A : memref<!tpu.dma_semaphore, #tpu.memory_space<semaphore_mem>>)
      %dma_wait3A_119 = tpu.memref_slice %arg9[%mul3A_2] : memref<10032xf32, #tpu.memory_space<vmem_shared>> -> memref<624xf32, #tpu.memory_space<vmem_shared>>
      %dma_wait3A_120 = tpu.memref_slice %arg9[%mul3A_2] : memref<10032xf32, #tpu.memory_space<vmem_shared>> -> memref<624xf32, #tpu.memory_space<vmem_shared>>
      tpu.wait_dma2 semaphore(%run_scoped3A : memref<!tpu.dma_semaphore, #tpu.memory_space<semaphore_mem>>) src(%arg8 : memref<624xf32, #tpu.memory_space<vmem>>) dst(%dma_wait3A_120 : memref<624xf32, #tpu.memory_space<vmem_shared>>)
      tpu.yield
    }) : () -> ()
    %eq3A = arith.constant 15 : i32
    %eq3A_3 = arith.cmpi eq, %arg1, %eq3A : i32
    %convert_element_type3A = arith.extui %eq3A_3 : i1 to i32
    %cond3A = arith.constant 0 : i32
    %cond3A_4 = arith.cmpi ne, %convert_element_type3A, %cond3A : i32
    scf.if %cond3A_4 {
      "tpu.region"() ({
        %run_scoped3A = tpu.sem_alloc : memref<!tpu.dma_semaphore, #tpu.memory_space<semaphore_mem>>
        %dma_start3A_117 = arith.constant 0 : i32
        %dma_start3A_118 = tpu.memref_slice %arg8[%dma_start3A_117] : memref<624xf32, #tpu.memory_space<vmem>> -> memref<48xf32, #tpu.memory_space<vmem>>
        %dma_start3A_119 = arith.constant 9984 : i32
        %dma_start3A_120 = tpu.memref_slice %arg9[%dma_start3A_119] : memref<10032xf32, #tpu.memory_space<vmem_shared>> -> memref<48xf32, #tpu.memory_space<vmem_shared>>
        %dma_start3A_121 = arith.constant 9984 : i32
        %dma_start3A_122 = tpu.memref_slice %arg9[%dma_start3A_121] : memref<10032xf32, #tpu.memory_space<vmem_shared>> -> memref<48xf32, #tpu.memory_space<vmem_shared>>
        %dma_start3A_123 = arith.constant 0 : i32
        %dma_start3A_124 = tpu.memref_slice %arg8[%dma_start3A_123] : memref<624xf32, #tpu.memory_space<vmem>> -> memref<48xf32, #tpu.memory_space<vmem>>
        tpu.enqueue_dma source(%dma_start3A_124 : memref<48xf32, #tpu.memory_space<vmem>>) target(%dma_start3A_122 : memref<48xf32, #tpu.memory_space<vmem_shared>>) target_semaphore(%run_scoped3A : memref<!tpu.dma_semaphore, #tpu.memory_space<semaphore_mem>>)
        %dma_wait3A_125 = arith.constant 0 : i32
        %dma_wait3A_126 = tpu.memref_slice %arg8[%dma_wait3A_125] : memref<624xf32, #tpu.memory_space<vmem>> -> memref<48xf32, #tpu.memory_space<vmem>>
        %dma_wait3A_127 = arith.constant 9984 : i32
        %dma_wait3A_128 = tpu.memref_slice %arg9[%dma_wait3A_127] : memref<10032xf32, #tpu.memory_space<vmem_shared>> -> memref<48xf32, #tpu.memory_space<vmem_shared>>
        %dma_wait3A_129 = arith.constant 9984 : i32
        %dma_wait3A_130 = tpu.memref_slice %arg9[%dma_wait3A_129] : memref<10032xf32, #tpu.memory_space<vmem_shared>> -> memref<48xf32, #tpu.memory_space<vmem_shared>>
        %dma_wait3A_131 = arith.constant 0 : i32
        %dma_wait3A_132 = tpu.memref_slice %arg8[%dma_wait3A_131] : memref<624xf32, #tpu.memory_space<vmem>> -> memref<48xf32, #tpu.memory_space<vmem>>
        tpu.wait_dma2 semaphore(%run_scoped3A : memref<!tpu.dma_semaphore, #tpu.memory_space<semaphore_mem>>) src(%dma_wait3A_132 : memref<48xf32, #tpu.memory_space<vmem>>) dst(%dma_wait3A_130 : memref<48xf32, #tpu.memory_space<vmem_shared>>)
        tpu.yield
      }) : () -> ()
    } else {
    }
    "tpu.region"() ({
      %run_scoped3A = tpu.sem_alloc : memref<!tpu.dma_semaphore, #tpu.memory_space<semaphore_mem>>
      tpu.enqueue_dma source(%arg3 : memref<128xf32, #tpu.memory_space<hbm>>) target(%arg7 : memref<128xf32, #tpu.memory_space<vmem>>) target_semaphore(%run_scoped3A : memref<!tpu.dma_semaphore, #tpu.memory_space<semaphore_mem>>)
      tpu.wait_dma2 semaphore(%run_scoped3A : memref<!tpu.dma_semaphore, #tpu.memory_space<semaphore_mem>>) src(%arg3 : memref<128xf32, #tpu.memory_space<hbm>>) dst(%arg7 : memref<128xf32, #tpu.memory_space<vmem>>)
      tpu.yield
    }) : () -> ()
    "tpu.region"() ({
      %run_scoped3A = tpu.sem_alloc : memref<!tpu.dma_semaphore, #tpu.memory_space<semaphore_mem>>
      %dma_start3A_117 = arith.constant 0 : i32
      %dma_start3A_118 = arith.constant 0 : i32
      %dma_start3A_119 = tpu.memref_slice %arg2[%add3A, %dma_start3A_117, %dma_start3A_118] : memref<32x79x128xi32, #tpu.memory_space<hbm>> -> memref<1x79x128xi32, #tpu.memory_space<hbm>>
      %dma_start3A_120 = tpu.memref_squeeze %dma_start3A_119 : memref<1x79x128xi32, #tpu.memory_space<hbm>> -> memref<79x128xi32, #tpu.memory_space<hbm>>
      %dma_start3A_121 = arith.constant 0 : i32
      %dma_start3A_122 = arith.constant 0 : i32
      %dma_start3A_123 = tpu.memref_slice %arg2[%add3A, %dma_start3A_121, %dma_start3A_122] : memref<32x79x128xi32, #tpu.memory_space<hbm>> -> memref<1x79x128xi32, #tpu.memory_space<hbm>>
      %dma_start3A_124 = tpu.memref_squeeze %dma_start3A_123 : memref<1x79x128xi32, #tpu.memory_space<hbm>> -> memref<79x128xi32, #tpu.memory_space<hbm>>
      tpu.enqueue_dma source(%dma_start3A_124 : memref<79x128xi32, #tpu.memory_space<hbm>>) target(%arg6 : memref<79x128xi32, #tpu.memory_space<vmem>>) target_semaphore(%run_scoped3A : memref<!tpu.dma_semaphore, #tpu.memory_space<semaphore_mem>>)
      %dma_wait3A_125 = arith.constant 0 : i32
      %dma_wait3A_126 = arith.constant 0 : i32
      %dma_wait3A_127 = tpu.memref_slice %arg2[%add3A, %dma_wait3A_125, %dma_wait3A_126] : memref<32x79x128xi32, #tpu.memory_space<hbm>> -> memref<1x79x128xi32, #tpu.memory_space<hbm>>
      %dma_wait3A_128 = tpu.memref_squeeze %dma_wait3A_127 : memref<1x79x128xi32, #tpu.memory_space<hbm>> -> memref<79x128xi32, #tpu.memory_space<hbm>>
      %dma_wait3A_129 = arith.constant 0 : i32
      %dma_wait3A_130 = arith.constant 0 : i32
      %dma_wait3A_131 = tpu.memref_slice %arg2[%add3A, %dma_wait3A_129, %dma_wait3A_130] : memref<32x79x128xi32, #tpu.memory_space<hbm>> -> memref<1x79x128xi32, #tpu.memory_space<hbm>>
      %dma_wait3A_132 = tpu.memref_squeeze %dma_wait3A_131 : memref<1x79x128xi32, #tpu.memory_space<hbm>> -> memref<79x128xi32, #tpu.memory_space<hbm>>
      tpu.wait_dma2 semaphore(%run_scoped3A : memref<!tpu.dma_semaphore, #tpu.memory_space<semaphore_mem>>) src(%dma_wait3A_132 : memref<79x128xi32, #tpu.memory_space<hbm>>) dst(%arg6 : memref<79x128xi32, #tpu.memory_space<vmem>>)
      tpu.yield
    }) : () -> ()
    %barrier3A = arith.constant 0 : index
    tpu.barrier barrier_id(%barrier3A)
    %dma_start3A = arith.constant 0 : i32
    %dma_start3A_5 = arith.constant 0 : i32
    %dma_start3A_6 = tpu.memref_slice %arg6[%dma_start3A, %dma_start3A_5] : memref<79x128xi32, #tpu.memory_space<vmem>> -> memref<1x128xi32, #tpu.memory_space<vmem>>
    %dma_start3A_7 = tpu.memref_squeeze %dma_start3A_6 : memref<1x128xi32, #tpu.memory_space<vmem>> -> memref<128xi32, #tpu.memory_space<vmem>>
    %dma_start3A_8 = arith.constant 0 : i32
    %dma_start3A_9 = tpu.memref_slice %arg9[%dma_start3A_8] : memref<10032xf32, #tpu.memory_space<vmem_shared>> -> memref<10032xf32, #tpu.memory_space<vmem_shared>>
    tpu.enqueue_indirect_dma source(%arg7 : memref<128xf32, #tpu.memory_space<vmem>>) target(%dma_start3A_9 : memref<10032xf32, #tpu.memory_space<vmem_shared>>) offsets(%dma_start3A_7 : memref<128xi32, #tpu.memory_space<vmem>>) semaphore(%arg10 : memref<!tpu.dma_semaphore, #tpu.memory_space<semaphore_mem>>) {add = true}
    %dma_start3A_10 = arith.constant 1 : i32
    %dma_start3A_11 = arith.constant 0 : i32
    %dma_start3A_12 = tpu.memref_slice %arg6[%dma_start3A_10, %dma_start3A_11] : memref<79x128xi32, #tpu.memory_space<vmem>> -> memref<1x128xi32, #tpu.memory_space<vmem>>
    %dma_start3A_13 = tpu.memref_squeeze %dma_start3A_12 : memref<1x128xi32, #tpu.memory_space<vmem>> -> memref<128xi32, #tpu.memory_space<vmem>>
    %dma_start3A_14 = arith.constant 0 : i32
    %dma_start3A_15 = tpu.memref_slice %arg9[%dma_start3A_14] : memref<10032xf32, #tpu.memory_space<vmem_shared>> -> memref<10032xf32, #tpu.memory_space<vmem_shared>>
    tpu.enqueue_indirect_dma source(%arg7 : memref<128xf32, #tpu.memory_space<vmem>>) target(%dma_start3A_15 : memref<10032xf32, #tpu.memory_space<vmem_shared>>) offsets(%dma_start3A_13 : memref<128xi32, #tpu.memory_space<vmem>>) semaphore(%arg10 : memref<!tpu.dma_semaphore, #tpu.memory_space<semaphore_mem>>) {add = true}
    %dma_start3A_16 = arith.constant 2 : i32
    %dma_start3A_17 = arith.constant 0 : i32
    %dma_start3A_18 = tpu.memref_slice %arg6[%dma_start3A_16, %dma_start3A_17] : memref<79x128xi32, #tpu.memory_space<vmem>> -> memref<1x128xi32, #tpu.memory_space<vmem>>
    %dma_start3A_19 = tpu.memref_squeeze %dma_start3A_18 : memref<1x128xi32, #tpu.memory_space<vmem>> -> memref<128xi32, #tpu.memory_space<vmem>>
    %dma_start3A_20 = arith.constant 0 : i32
    %dma_start3A_21 = tpu.memref_slice %arg9[%dma_start3A_20] : memref<10032xf32, #tpu.memory_space<vmem_shared>> -> memref<10032xf32, #tpu.memory_space<vmem_shared>>
    tpu.enqueue_indirect_dma source(%arg7 : memref<128xf32, #tpu.memory_space<vmem>>) target(%dma_start3A_21 : memref<10032xf32, #tpu.memory_space<vmem_shared>>) offsets(%dma_start3A_19 : memref<128xi32, #tpu.memory_space<vmem>>) semaphore(%arg10 : memref<!tpu.dma_semaphore, #tpu.memory_space<semaphore_mem>>) {add = true}
    %dma_start3A_22 = arith.constant 3 : i32
    %dma_start3A_23 = arith.constant 0 : i32
    %dma_start3A_24 = tpu.memref_slice %arg6[%dma_start3A_22, %dma_start3A_23] : memref<79x128xi32, #tpu.memory_space<vmem>> -> memref<1x128xi32, #tpu.memory_space<vmem>>
    %dma_start3A_25 = tpu.memref_squeeze %dma_start3A_24 : memref<1x128xi32, #tpu.memory_space<vmem>> -> memref<128xi32, #tpu.memory_space<vmem>>
    %dma_start3A_26 = arith.constant 0 : i32
    %dma_start3A_27 = tpu.memref_slice %arg9[%dma_start3A_26] : memref<10032xf32, #tpu.memory_space<vmem_shared>> -> memref<10032xf32, #tpu.memory_space<vmem_shared>>
    tpu.enqueue_indirect_dma source(%arg7 : memref<128xf32, #tpu.memory_space<vmem>>) target(%dma_start3A_27 : memref<10032xf32, #tpu.memory_space<vmem_shared>>) offsets(%dma_start3A_25 : memref<128xi32, #tpu.memory_space<vmem>>) semaphore(%arg10 : memref<!tpu.dma_semaphore, #tpu.memory_space<semaphore_mem>>) {add = true}
    %dma_start3A_28 = arith.constant 4 : i32
    %dma_start3A_29 = arith.constant 0 : i32
    %dma_start3A_30 = tpu.memref_slice %arg6[%dma_start3A_28, %dma_start3A_29] : memref<79x128xi32, #tpu.memory_space<vmem>> -> memref<1x128xi32, #tpu.memory_space<vmem>>
    %dma_start3A_31 = tpu.memref_squeeze %dma_start3A_30 : memref<1x128xi32, #tpu.memory_space<vmem>> -> memref<128xi32, #tpu.memory_space<vmem>>
    %dma_start3A_32 = arith.constant 0 : i32
    %dma_start3A_33 = tpu.memref_slice %arg9[%dma_start3A_32] : memref<10032xf32, #tpu.memory_space<vmem_shared>> -> memref<10032xf32, #tpu.memory_space<vmem_shared>>
    tpu.enqueue_indirect_dma source(%arg7 : memref<128xf32, #tpu.memory_space<vmem>>) target(%dma_start3A_33 : memref<10032xf32, #tpu.memory_space<vmem_shared>>) offsets(%dma_start3A_31 : memref<128xi32, #tpu.memory_space<vmem>>) semaphore(%arg10 : memref<!tpu.dma_semaphore, #tpu.memory_space<semaphore_mem>>) {add = true}
    %dma_start3A_34 = arith.constant 5 : i32
    %dma_start3A_35 = arith.constant 0 : i32
    %dma_start3A_36 = tpu.memref_slice %arg6[%dma_start3A_34, %dma_start3A_35] : memref<79x128xi32, #tpu.memory_space<vmem>> -> memref<1x128xi32, #tpu.memory_space<vmem>>
    %dma_start3A_37 = tpu.memref_squeeze %dma_start3A_36 : memref<1x128xi32, #tpu.memory_space<vmem>> -> memref<128xi32, #tpu.memory_space<vmem>>
    %dma_start3A_38 = arith.constant 0 : i32
    %dma_start3A_39 = tpu.memref_slice %arg9[%dma_start3A_38] : memref<10032xf32, #tpu.memory_space<vmem_shared>> -> memref<10032xf32, #tpu.memory_space<vmem_shared>>
    tpu.enqueue_indirect_dma source(%arg7 : memref<128xf32, #tpu.memory_space<vmem>>) target(%dma_start3A_39 : memref<10032xf32, #tpu.memory_space<vmem_shared>>) offsets(%dma_start3A_37 : memref<128xi32, #tpu.memory_space<vmem>>) semaphore(%arg10 : memref<!tpu.dma_semaphore, #tpu.memory_space<semaphore_mem>>) {add = true}
    %dma_start3A_40 = arith.constant 6 : i32
    %dma_start3A_41 = arith.constant 0 : i32
    %dma_start3A_42 = tpu.memref_slice %arg6[%dma_start3A_40, %dma_start3A_41] : memref<79x128xi32, #tpu.memory_space<vmem>> -> memref<1x128xi32, #tpu.memory_space<vmem>>
    %dma_start3A_43 = tpu.memref_squeeze %dma_start3A_42 : memref<1x128xi32, #tpu.memory_space<vmem>> -> memref<128xi32, #tpu.memory_space<vmem>>
    %dma_start3A_44 = arith.constant 0 : i32
    %dma_start3A_45 = tpu.memref_slice %arg9[%dma_start3A_44] : memref<10032xf32, #tpu.memory_space<vmem_shared>> -> memref<10032xf32, #tpu.memory_space<vmem_shared>>
    tpu.enqueue_indirect_dma source(%arg7 : memref<128xf32, #tpu.memory_space<vmem>>) target(%dma_start3A_45 : memref<10032xf32, #tpu.memory_space<vmem_shared>>) offsets(%dma_start3A_43 : memref<128xi32, #tpu.memory_space<vmem>>) semaphore(%arg10 : memref<!tpu.dma_semaphore, #tpu.memory_space<semaphore_mem>>) {add = true}
    %dma_start3A_46 = arith.constant 7 : i32
    %dma_start3A_47 = arith.constant 0 : i32
    %dma_start3A_48 = tpu.memref_slice %arg6[%dma_start3A_46, %dma_start3A_47] : memref<79x128xi32, #tpu.memory_space<vmem>> -> memref<1x128xi32, #tpu.memory_space<vmem>>
    %dma_start3A_49 = tpu.memref_squeeze %dma_start3A_48 : memref<1x128xi32, #tpu.memory_space<vmem>> -> memref<128xi32, #tpu.memory_space<vmem>>
    %dma_start3A_50 = arith.constant 0 : i32
    %dma_start3A_51 = tpu.memref_slice %arg9[%dma_start3A_50] : memref<10032xf32, #tpu.memory_space<vmem_shared>> -> memref<10032xf32, #tpu.memory_space<vmem_shared>>
    tpu.enqueue_indirect_dma source(%arg7 : memref<128xf32, #tpu.memory_space<vmem>>) target(%dma_start3A_51 : memref<10032xf32, #tpu.memory_space<vmem_shared>>) offsets(%dma_start3A_49 : memref<128xi32, #tpu.memory_space<vmem>>) semaphore(%arg10 : memref<!tpu.dma_semaphore, #tpu.memory_space<semaphore_mem>>) {add = true}
    %scan3A = arith.constant 0 : i32
    %scan3A_52 = arith.constant 8 : i32
    %scan3A_53 = arith.constant 71 : i32
    %scan3A_54 = arith.addi %scan3A_52, %scan3A_53 : i32
    %scan3A_55 = arith.constant 1 : i32
    scf.for %scan3A_117 = %scan3A_52 to %scan3A_54 step %scan3A_55  : i32 {
      %dma_wait3A_118 = arith.constant 0 : i32
      %dma_wait3A_119 = arith.constant 0 : i32
      %dma_wait3A_120 = tpu.memref_slice %arg6[%dma_wait3A_118, %dma_wait3A_119] : memref<79x128xi32, #tpu.memory_space<vmem>> -> memref<1x128xi32, #tpu.memory_space<vmem>>
      %dma_wait3A_121 = tpu.memref_squeeze %dma_wait3A_120 : memref<1x128xi32, #tpu.memory_space<vmem>> -> memref<128xi32, #tpu.memory_space<vmem>>
      %dma_wait3A_122 = arith.constant 0 : i32
      %dma_wait3A_123 = tpu.memref_slice %arg9[%dma_wait3A_122] : memref<10032xf32, #tpu.memory_space<vmem_shared>> -> memref<10032xf32, #tpu.memory_space<vmem_shared>>
      tpu.wait_indirect_dma semaphore(%arg10 : memref<!tpu.dma_semaphore, #tpu.memory_space<semaphore_mem>>) src(%arg7 : memref<128xf32, #tpu.memory_space<vmem>>) dst(%dma_wait3A_123 : memref<10032xf32, #tpu.memory_space<vmem_shared>>)
      %dma_start3A_124 = arith.constant 0 : i32
      %dma_start3A_125 = tpu.memref_slice %arg6[%scan3A_117, %dma_start3A_124] : memref<79x128xi32, #tpu.memory_space<vmem>> -> memref<1x128xi32, #tpu.memory_space<vmem>>
      %dma_start3A_126 = tpu.memref_squeeze %dma_start3A_125 : memref<1x128xi32, #tpu.memory_space<vmem>> -> memref<128xi32, #tpu.memory_space<vmem>>
      %dma_start3A_127 = arith.constant 0 : i32
      %dma_start3A_128 = tpu.memref_slice %arg9[%dma_start3A_127] : memref<10032xf32, #tpu.memory_space<vmem_shared>> -> memref<10032xf32, #tpu.memory_space<vmem_shared>>
      tpu.enqueue_indirect_dma source(%arg7 : memref<128xf32, #tpu.memory_space<vmem>>) target(%dma_start3A_128 : memref<10032xf32, #tpu.memory_space<vmem_shared>>) offsets(%dma_start3A_126 : memref<128xi32, #tpu.memory_space<vmem>>) semaphore(%arg10 : memref<!tpu.dma_semaphore, #tpu.memory_space<semaphore_mem>>) {add = true}
    }
    %scan3A_56 = arith.constant 71 : i32
    %dma_wait3A = arith.constant 0 : i32
    %dma_wait3A_57 = arith.constant 0 : i32
    %dma_wait3A_58 = tpu.memref_slice %arg6[%dma_wait3A, %dma_wait3A_57] : memref<79x128xi32, #tpu.memory_space<vmem>> -> memref<1x128xi32, #tpu.memory_space<vmem>>
    %dma_wait3A_59 = tpu.memref_squeeze %dma_wait3A_58 : memref<1x128xi32, #tpu.memory_space<vmem>> -> memref<128xi32, #tpu.memory_space<vmem>>
    %dma_wait3A_60 = arith.constant 0 : i32
    %dma_wait3A_61 = tpu.memref_slice %arg9[%dma_wait3A_60] : memref<10032xf32, #tpu.memory_space<vmem_shared>> -> memref<10032xf32, #tpu.memory_space<vmem_shared>>
    tpu.wait_indirect_dma semaphore(%arg10 : memref<!tpu.dma_semaphore, #tpu.memory_space<semaphore_mem>>) src(%arg7 : memref<128xf32, #tpu.memory_space<vmem>>) dst(%dma_wait3A_61 : memref<10032xf32, #tpu.memory_space<vmem_shared>>)
    %dma_wait3A_62 = arith.constant 0 : i32
    %dma_wait3A_63 = arith.constant 0 : i32
    %dma_wait3A_64 = tpu.memref_slice %arg6[%dma_wait3A_62, %dma_wait3A_63] : memref<79x128xi32, #tpu.memory_space<vmem>> -> memref<1x128xi32, #tpu.memory_space<vmem>>
    %dma_wait3A_65 = tpu.memref_squeeze %dma_wait3A_64 : memref<1x128xi32, #tpu.memory_space<vmem>> -> memref<128xi32, #tpu.memory_space<vmem>>
    %dma_wait3A_66 = arith.constant 0 : i32
    %dma_wait3A_67 = tpu.memref_slice %arg9[%dma_wait3A_66] : memref<10032xf32, #tpu.memory_space<vmem_shared>> -> memref<10032xf32, #tpu.memory_space<vmem_shared>>
    tpu.wait_indirect_dma semaphore(%arg10 : memref<!tpu.dma_semaphore, #tpu.memory_space<semaphore_mem>>) src(%arg7 : memref<128xf32, #tpu.memory_space<vmem>>) dst(%dma_wait3A_67 : memref<10032xf32, #tpu.memory_space<vmem_shared>>)
    %dma_wait3A_68 = arith.constant 0 : i32
    %dma_wait3A_69 = arith.constant 0 : i32
    %dma_wait3A_70 = tpu.memref_slice %arg6[%dma_wait3A_68, %dma_wait3A_69] : memref<79x128xi32, #tpu.memory_space<vmem>> -> memref<1x128xi32, #tpu.memory_space<vmem>>
    %dma_wait3A_71 = tpu.memref_squeeze %dma_wait3A_70 : memref<1x128xi32, #tpu.memory_space<vmem>> -> memref<128xi32, #tpu.memory_space<vmem>>
    %dma_wait3A_72 = arith.constant 0 : i32
    %dma_wait3A_73 = tpu.memref_slice %arg9[%dma_wait3A_72] : memref<10032xf32, #tpu.memory_space<vmem_shared>> -> memref<10032xf32, #tpu.memory_space<vmem_shared>>
    tpu.wait_indirect_dma semaphore(%arg10 : memref<!tpu.dma_semaphore, #tpu.memory_space<semaphore_mem>>) src(%arg7 : memref<128xf32, #tpu.memory_space<vmem>>) dst(%dma_wait3A_73 : memref<10032xf32, #tpu.memory_space<vmem_shared>>)
    %dma_wait3A_74 = arith.constant 0 : i32
    %dma_wait3A_75 = arith.constant 0 : i32
    %dma_wait3A_76 = tpu.memref_slice %arg6[%dma_wait3A_74, %dma_wait3A_75] : memref<79x128xi32, #tpu.memory_space<vmem>> -> memref<1x128xi32, #tpu.memory_space<vmem>>
    %dma_wait3A_77 = tpu.memref_squeeze %dma_wait3A_76 : memref<1x128xi32, #tpu.memory_space<vmem>> -> memref<128xi32, #tpu.memory_space<vmem>>
    %dma_wait3A_78 = arith.constant 0 : i32
    %dma_wait3A_79 = tpu.memref_slice %arg9[%dma_wait3A_78] : memref<10032xf32, #tpu.memory_space<vmem_shared>> -> memref<10032xf32, #tpu.memory_space<vmem_shared>>
    tpu.wait_indirect_dma semaphore(%arg10 : memref<!tpu.dma_semaphore, #tpu.memory_space<semaphore_mem>>) src(%arg7 : memref<128xf32, #tpu.memory_space<vmem>>) dst(%dma_wait3A_79 : memref<10032xf32, #tpu.memory_space<vmem_shared>>)
    %dma_wait3A_80 = arith.constant 0 : i32
    %dma_wait3A_81 = arith.constant 0 : i32
    %dma_wait3A_82 = tpu.memref_slice %arg6[%dma_wait3A_80, %dma_wait3A_81] : memref<79x128xi32, #tpu.memory_space<vmem>> -> memref<1x128xi32, #tpu.memory_space<vmem>>
    %dma_wait3A_83 = tpu.memref_squeeze %dma_wait3A_82 : memref<1x128xi32, #tpu.memory_space<vmem>> -> memref<128xi32, #tpu.memory_space<vmem>>
    %dma_wait3A_84 = arith.constant 0 : i32
    %dma_wait3A_85 = tpu.memref_slice %arg9[%dma_wait3A_84] : memref<10032xf32, #tpu.memory_space<vmem_shared>> -> memref<10032xf32, #tpu.memory_space<vmem_shared>>
    tpu.wait_indirect_dma semaphore(%arg10 : memref<!tpu.dma_semaphore, #tpu.memory_space<semaphore_mem>>) src(%arg7 : memref<128xf32, #tpu.memory_space<vmem>>) dst(%dma_wait3A_85 : memref<10032xf32, #tpu.memory_space<vmem_shared>>)
    %dma_wait3A_86 = arith.constant 0 : i32
    %dma_wait3A_87 = arith.constant 0 : i32
    %dma_wait3A_88 = tpu.memref_slice %arg6[%dma_wait3A_86, %dma_wait3A_87] : memref<79x128xi32, #tpu.memory_space<vmem>> -> memref<1x128xi32, #tpu.memory_space<vmem>>
    %dma_wait3A_89 = tpu.memref_squeeze %dma_wait3A_88 : memref<1x128xi32, #tpu.memory_space<vmem>> -> memref<128xi32, #tpu.memory_space<vmem>>
    %dma_wait3A_90 = arith.constant 0 : i32
    %dma_wait3A_91 = tpu.memref_slice %arg9[%dma_wait3A_90] : memref<10032xf32, #tpu.memory_space<vmem_shared>> -> memref<10032xf32, #tpu.memory_space<vmem_shared>>
    tpu.wait_indirect_dma semaphore(%arg10 : memref<!tpu.dma_semaphore, #tpu.memory_space<semaphore_mem>>) src(%arg7 : memref<128xf32, #tpu.memory_space<vmem>>) dst(%dma_wait3A_91 : memref<10032xf32, #tpu.memory_space<vmem_shared>>)
    %dma_wait3A_92 = arith.constant 0 : i32
    %dma_wait3A_93 = arith.constant 0 : i32
    %dma_wait3A_94 = tpu.memref_slice %arg6[%dma_wait3A_92, %dma_wait3A_93] : memref<79x128xi32, #tpu.memory_space<vmem>> -> memref<1x128xi32, #tpu.memory_space<vmem>>
    %dma_wait3A_95 = tpu.memref_squeeze %dma_wait3A_94 : memref<1x128xi32, #tpu.memory_space<vmem>> -> memref<128xi32, #tpu.memory_space<vmem>>
    %dma_wait3A_96 = arith.constant 0 : i32
    %dma_wait3A_97 = tpu.memref_slice %arg9[%dma_wait3A_96] : memref<10032xf32, #tpu.memory_space<vmem_shared>> -> memref<10032xf32, #tpu.memory_space<vmem_shared>>
    tpu.wait_indirect_dma semaphore(%arg10 : memref<!tpu.dma_semaphore, #tpu.memory_space<semaphore_mem>>) src(%arg7 : memref<128xf32, #tpu.memory_space<vmem>>) dst(%dma_wait3A_97 : memref<10032xf32, #tpu.memory_space<vmem_shared>>)
    %dma_wait3A_98 = arith.constant 0 : i32
    %dma_wait3A_99 = arith.constant 0 : i32
    %dma_wait3A_100 = tpu.memref_slice %arg6[%dma_wait3A_98, %dma_wait3A_99] : memref<79x128xi32, #tpu.memory_space<vmem>> -> memref<1x128xi32, #tpu.memory_space<vmem>>
    %dma_wait3A_101 = tpu.memref_squeeze %dma_wait3A_100 : memref<1x128xi32, #tpu.memory_space<vmem>> -> memref<128xi32, #tpu.memory_space<vmem>>
    %dma_wait3A_102 = arith.constant 0 : i32
    %dma_wait3A_103 = tpu.memref_slice %arg9[%dma_wait3A_102] : memref<10032xf32, #tpu.memory_space<vmem_shared>> -> memref<10032xf32, #tpu.memory_space<vmem_shared>>
    tpu.wait_indirect_dma semaphore(%arg10 : memref<!tpu.dma_semaphore, #tpu.memory_space<semaphore_mem>>) src(%arg7 : memref<128xf32, #tpu.memory_space<vmem>>) dst(%dma_wait3A_103 : memref<10032xf32, #tpu.memory_space<vmem_shared>>)
    %barrier3A_104 = arith.constant 0 : index
    tpu.barrier barrier_id(%barrier3A_104)
    %mul3A_105 = arith.constant 624 : i32
    %mul3A_106 = arith.muli %arg1, %mul3A_105 : i32
    "tpu.region"() ({
      %run_scoped3A = tpu.sem_alloc : memref<!tpu.dma_semaphore, #tpu.memory_space<semaphore_mem>>
      %dma_start3A_117 = arith.constant 0 : i32
      %dma_start3A_118 = tpu.memref_slice %arg8[%dma_start3A_117] : memref<624xf32, #tpu.memory_space<vmem>> -> memref<624xf32, #tpu.memory_space<vmem>>
      %dma_start3A_119 = tpu.memref_slice %arg9[%mul3A_106] : memref<10032xf32, #tpu.memory_space<vmem_shared>> -> memref<624xf32, #tpu.memory_space<vmem_shared>>
      %dma_start3A_120 = arith.constant 0 : i32
      %dma_start3A_121 = tpu.memref_slice %arg8[%dma_start3A_120] : memref<624xf32, #tpu.memory_space<vmem>> -> memref<624xf32, #tpu.memory_space<vmem>>
      %dma_start3A_122 = tpu.memref_slice %arg9[%mul3A_106] : memref<10032xf32, #tpu.memory_space<vmem_shared>> -> memref<624xf32, #tpu.memory_space<vmem_shared>>
      tpu.enqueue_dma source(%dma_start3A_122 : memref<624xf32, #tpu.memory_space<vmem_shared>>) target(%dma_start3A_121 : memref<624xf32, #tpu.memory_space<vmem>>) target_semaphore(%run_scoped3A : memref<!tpu.dma_semaphore, #tpu.memory_space<semaphore_mem>>)
      %dma_wait3A_123 = arith.constant 0 : i32
      %dma_wait3A_124 = tpu.memref_slice %arg8[%dma_wait3A_123] : memref<624xf32, #tpu.memory_space<vmem>> -> memref<624xf32, #tpu.memory_space<vmem>>
      %dma_wait3A_125 = tpu.memref_slice %arg9[%mul3A_106] : memref<10032xf32, #tpu.memory_space<vmem_shared>> -> memref<624xf32, #tpu.memory_space<vmem_shared>>
      %dma_wait3A_126 = arith.constant 0 : i32
      %dma_wait3A_127 = tpu.memref_slice %arg8[%dma_wait3A_126] : memref<624xf32, #tpu.memory_space<vmem>> -> memref<624xf32, #tpu.memory_space<vmem>>
      %dma_wait3A_128 = tpu.memref_slice %arg9[%mul3A_106] : memref<10032xf32, #tpu.memory_space<vmem_shared>> -> memref<624xf32, #tpu.memory_space<vmem_shared>>
      tpu.wait_dma2 semaphore(%run_scoped3A : memref<!tpu.dma_semaphore, #tpu.memory_space<semaphore_mem>>) src(%dma_wait3A_128 : memref<624xf32, #tpu.memory_space<vmem_shared>>) dst(%dma_wait3A_127 : memref<624xf32, #tpu.memory_space<vmem>>)
      tpu.yield
    }) : () -> ()
    %mul3A_107 = arith.constant 10000 : i32
    %mul3A_108 = arith.muli %arg0, %mul3A_107 : i32
    %mul3A_109 = arith.constant 624 : i32
    %mul3A_110 = arith.muli %arg1, %mul3A_109 : i32
    %add3A_111 = arith.addi %mul3A_108, %mul3A_110 : i32
    "tpu.region"() ({
      %run_scoped3A = tpu.sem_alloc : memref<!tpu.dma_semaphore, #tpu.memory_space<semaphore_mem>>
      %dma_start3A_117 = arith.constant 0 : i32
      %dma_start3A_118 = tpu.memref_slice %arg8[%dma_start3A_117] : memref<624xf32, #tpu.memory_space<vmem>> -> memref<624xf32, #tpu.memory_space<vmem>>
      %dma_start3A_119 = tpu.memref_slice %arg5[%add3A_111] : memref<20000xf32, #tpu.memory_space<hbm>> -> memref<624xf32, #tpu.memory_space<hbm>>
      %dma_start3A_120 = tpu.memref_slice %arg5[%add3A_111] : memref<20000xf32, #tpu.memory_space<hbm>> -> memref<624xf32, #tpu.memory_space<hbm>>
      %dma_start3A_121 = arith.constant 0 : i32
      %dma_start3A_122 = tpu.memref_slice %arg8[%dma_start3A_121] : memref<624xf32, #tpu.memory_space<vmem>> -> memref<624xf32, #tpu.memory_space<vmem>>
      tpu.enqueue_dma source(%dma_start3A_122 : memref<624xf32, #tpu.memory_space<vmem>>) target(%dma_start3A_120 : memref<624xf32, #tpu.memory_space<hbm>>) target_semaphore(%run_scoped3A : memref<!tpu.dma_semaphore, #tpu.memory_space<semaphore_mem>>)
      %dma_wait3A_123 = arith.constant 0 : i32
      %dma_wait3A_124 = tpu.memref_slice %arg8[%dma_wait3A_123] : memref<624xf32, #tpu.memory_space<vmem>> -> memref<624xf32, #tpu.memory_space<vmem>>
      %dma_wait3A_125 = tpu.memref_slice %arg5[%add3A_111] : memref<20000xf32, #tpu.memory_space<hbm>> -> memref<624xf32, #tpu.memory_space<hbm>>
      %dma_wait3A_126 = tpu.memref_slice %arg5[%add3A_111] : memref<20000xf32, #tpu.memory_space<hbm>> -> memref<624xf32, #tpu.memory_space<hbm>>
      %dma_wait3A_127 = arith.constant 0 : i32
      %dma_wait3A_128 = tpu.memref_slice %arg8[%dma_wait3A_127] : memref<624xf32, #tpu.memory_space<vmem>> -> memref<624xf32, #tpu.memory_space<vmem>>
      tpu.wait_dma2 semaphore(%run_scoped3A : memref<!tpu.dma_semaphore, #tpu.memory_space<semaphore_mem>>) src(%dma_wait3A_128 : memref<624xf32, #tpu.memory_space<vmem>>) dst(%dma_wait3A_126 : memref<624xf32, #tpu.memory_space<hbm>>)
      tpu.yield
    }) : () -> ()
    %eq3A_112 = arith.constant 15 : i32
    %eq3A_113 = arith.cmpi eq, %arg1, %eq3A_112 : i32
    %convert_element_type3A_114 = arith.extui %eq3A_113 : i1 to i32
    %cond3A_115 = arith.constant 0 : i32
    %cond3A_116 = arith.cmpi ne, %convert_element_type3A_114, %cond3A_115 : i32
    scf.if %cond3A_116 {
      "tpu.region"() ({
        %run_scoped3A = tpu.sem_alloc : memref<!tpu.dma_semaphore, #tpu.memory_space<semaphore_mem>>
        %dma_start3A_121 = arith.constant 0 : i32
        %dma_start3A_122 = tpu.memref_slice %arg8[%dma_start3A_121] : memref<624xf32, #tpu.memory_space<vmem>> -> memref<16xf32, #tpu.memory_space<vmem>>
        %dma_start3A_123 = arith.constant 9984 : i32
        %dma_start3A_124 = tpu.memref_slice %arg9[%dma_start3A_123] : memref<10032xf32, #tpu.memory_space<vmem_shared>> -> memref<16xf32, #tpu.memory_space<vmem_shared>>
        %dma_start3A_125 = arith.constant 0 : i32
        %dma_start3A_126 = tpu.memref_slice %arg8[%dma_start3A_125] : memref<624xf32, #tpu.memory_space<vmem>> -> memref<16xf32, #tpu.memory_space<vmem>>
        %dma_start3A_127 = arith.constant 9984 : i32
        %dma_start3A_128 = tpu.memref_slice %arg9[%dma_start3A_127] : memref<10032xf32, #tpu.memory_space<vmem_shared>> -> memref<16xf32, #tpu.memory_space<vmem_shared>>
        tpu.enqueue_dma source(%dma_start3A_128 : memref<16xf32, #tpu.memory_space<vmem_shared>>) target(%dma_start3A_126 : memref<16xf32, #tpu.memory_space<vmem>>) target_semaphore(%run_scoped3A : memref<!tpu.dma_semaphore, #tpu.memory_space<semaphore_mem>>)
        %dma_wait3A_129 = arith.constant 0 : i32
        %dma_wait3A_130 = tpu.memref_slice %arg8[%dma_wait3A_129] : memref<624xf32, #tpu.memory_space<vmem>> -> memref<16xf32, #tpu.memory_space<vmem>>
        %dma_wait3A_131 = arith.constant 9984 : i32
        %dma_wait3A_132 = tpu.memref_slice %arg9[%dma_wait3A_131] : memref<10032xf32, #tpu.memory_space<vmem_shared>> -> memref<16xf32, #tpu.memory_space<vmem_shared>>
        %dma_wait3A_133 = arith.constant 0 : i32
        %dma_wait3A_134 = tpu.memref_slice %arg8[%dma_wait3A_133] : memref<624xf32, #tpu.memory_space<vmem>> -> memref<16xf32, #tpu.memory_space<vmem>>
        %dma_wait3A_135 = arith.constant 9984 : i32
        %dma_wait3A_136 = tpu.memref_slice %arg9[%dma_wait3A_135] : memref<10032xf32, #tpu.memory_space<vmem_shared>> -> memref<16xf32, #tpu.memory_space<vmem_shared>>
        tpu.wait_dma2 semaphore(%run_scoped3A : memref<!tpu.dma_semaphore, #tpu.memory_space<semaphore_mem>>) src(%dma_wait3A_136 : memref<16xf32, #tpu.memory_space<vmem_shared>>) dst(%dma_wait3A_134 : memref<16xf32, #tpu.memory_space<vmem>>)
        tpu.yield
      }) : () -> ()
      %mul3A_117 = arith.constant 10000 : i32
      %mul3A_118 = arith.muli %arg0, %mul3A_117 : i32
      %add3A_119 = arith.constant 9984 : i32
      %add3A_120 = arith.addi %mul3A_118, %add3A_119 : i32
      "tpu.region"() ({
        %run_scoped3A = tpu.sem_alloc : memref<!tpu.dma_semaphore, #tpu.memory_space<semaphore_mem>>
        %dma_start3A_121 = arith.constant 0 : i32
        %dma_start3A_122 = tpu.memref_slice %arg8[%dma_start3A_121] : memref<624xf32, #tpu.memory_space<vmem>> -> memref<16xf32, #tpu.memory_space<vmem>>
        %dma_start3A_123 = tpu.memref_slice %arg5[%add3A_120] : memref<20000xf32, #tpu.memory_space<hbm>> -> memref<16xf32, #tpu.memory_space<hbm>>
        %dma_start3A_124 = tpu.memref_slice %arg5[%add3A_120] : memref<20000xf32, #tpu.memory_space<hbm>> -> memref<16xf32, #tpu.memory_space<hbm>>
        %dma_start3A_125 = arith.constant 0 : i32
        %dma_start3A_126 = tpu.memref_slice %arg8[%dma_start3A_125] : memref<624xf32, #tpu.memory_space<vmem>> -> memref<16xf32, #tpu.memory_space<vmem>>
        tpu.enqueue_dma source(%dma_start3A_126 : memref<16xf32, #tpu.memory_space<vmem>>) target(%dma_start3A_124 : memref<16xf32, #tpu.memory_space<hbm>>) target_semaphore(%run_scoped3A : memref<!tpu.dma_semaphore, #tpu.memory_space<semaphore_mem>>)
        %dma_wait3A_127 = arith.constant 0 : i32
        %dma_wait3A_128 = tpu.memref_slice %arg8[%dma_wait3A_127] : memref<624xf32, #tpu.memory_space<vmem>> -> memref<16xf32, #tpu.memory_space<vmem>>
        %dma_wait3A_129 = tpu.memref_slice %arg5[%add3A_120] : memref<20000xf32, #tpu.memory_space<hbm>> -> memref<16xf32, #tpu.memory_space<hbm>>
        %dma_wait3A_130 = tpu.memref_slice %arg5[%add3A_120] : memref<20000xf32, #tpu.memory_space<hbm>> -> memref<16xf32, #tpu.memory_space<hbm>>
        %dma_wait3A_131 = arith.constant 0 : i32
        %dma_wait3A_132 = tpu.memref_slice %arg8[%dma_wait3A_131] : memref<624xf32, #tpu.memory_space<vmem>> -> memref<16xf32, #tpu.memory_space<vmem>>
        tpu.wait_dma2 semaphore(%run_scoped3A : memref<!tpu.dma_semaphore, #tpu.memory_space<semaphore_mem>>) src(%dma_wait3A_132 : memref<16xf32, #tpu.memory_space<vmem>>) dst(%dma_wait3A_130 : memref<16xf32, #tpu.memory_space<hbm>>)
        tpu.yield
      }) : () -> ()
    } else {
    }
    return
  }
}

#map = affine_map<(d0, d1) -> (0)>
#map1 = affine_map<(d0, d1) -> (0, 0, 0)>
#map2 = affine_map<(d0, d1) -> (0, 0)>
module attributes {stable_mosaic.version = 14 : i64} {
  func.func @agg_kernel(%arg0: i32, %arg1: i32, %arg2: memref<323584xi32, #tpu.memory_space<hbm>>, %arg3: memref<32x79x128xi32, #tpu.memory_space<hbm>>, %arg4: memref<10000x128xf32, #tpu.memory_space<hbm>>, %arg5: memref<48x128xf32, #tpu.memory_space<hbm>>, %arg6: memref<2x10000x128xf32, #tpu.memory_space<hbm>>, %arg7: memref<5120xi32, #tpu.memory_space<vmem>>, %arg8: memref<79x128xi32, #tpu.memory_space<vmem>>, %arg9: memref<2x128x128xf32, #tpu.memory_space<vmem>>, %arg10: memref<10032x128xf32, #tpu.memory_space<vmem_shared>>, %arg11: memref<!tpu.dma_semaphore, #tpu.memory_space<semaphore_mem>>, %arg12: memref<!tpu.dma_semaphore, #tpu.memory_space<semaphore_mem>>, %arg13: memref<!tpu.dma_semaphore, #tpu.memory_space<semaphore_mem>>, %arg14: memref<!tpu.dma_semaphore, #tpu.memory_space<semaphore_mem>>) attributes {dimension_semantics = [#tpu.dimension_semantics<core_parallel>, #tpu.dimension_semantics<subcore_parallel>], iteration_bounds = array<i64: 2, 16>, scalar_prefetch = 0 : i64, scratch_operands = 8 : i64, tpu.core_type = #tpu.core_type<sc_vector_subcore>, window_params = [{transform_indices = #map}, {transform_indices = #map1}, {transform_indices = #map2}, {transform_indices = #map2}, {transform_indices = #map1}]} {
    %mul3A = arith.constant 16 : i32
    %mul3A_0 = arith.muli %arg0, %mul3A : i32
    %add3A = arith.addi %mul3A_0, %arg1 : i32
    %run_scoped3A = arith.constant 0 : i32
    "tpu.region"() ({
      %run_scoped3A_169 = tpu.sem_alloc : memref<!tpu.dma_semaphore, #tpu.memory_space<semaphore_mem>>
      %dma_start3A_170 = arith.constant 0 : i32
      %dma_start3A_171 = arith.constant 0 : i32
      %dma_start3A_172 = tpu.memref_slice %arg9[%run_scoped3A, %dma_start3A_170, %dma_start3A_171] : memref<2x128x128xf32, #tpu.memory_space<vmem>> -> memref<1x48x128xf32, #tpu.memory_space<vmem>>
      %dma_start3A_173 = tpu.memref_squeeze %dma_start3A_172 : memref<1x48x128xf32, #tpu.memory_space<vmem>> -> memref<48x128xf32, #tpu.memory_space<vmem>>
      %dma_start3A_174 = arith.constant 0 : i32
      %dma_start3A_175 = arith.constant 0 : i32
      %dma_start3A_176 = tpu.memref_slice %arg9[%run_scoped3A, %dma_start3A_174, %dma_start3A_175] : memref<2x128x128xf32, #tpu.memory_space<vmem>> -> memref<1x48x128xf32, #tpu.memory_space<vmem>>
      %dma_start3A_177 = tpu.memref_squeeze %dma_start3A_176 : memref<1x48x128xf32, #tpu.memory_space<vmem>> -> memref<48x128xf32, #tpu.memory_space<vmem>>
      tpu.enqueue_dma source(%arg5 : memref<48x128xf32, #tpu.memory_space<hbm>>) target(%dma_start3A_177 : memref<48x128xf32, #tpu.memory_space<vmem>>) target_semaphore(%run_scoped3A_169 : memref<!tpu.dma_semaphore, #tpu.memory_space<semaphore_mem>>)
      %dma_wait3A_178 = arith.constant 0 : i32
      %dma_wait3A_179 = arith.constant 0 : i32
      %dma_wait3A_180 = tpu.memref_slice %arg9[%run_scoped3A, %dma_wait3A_178, %dma_wait3A_179] : memref<2x128x128xf32, #tpu.memory_space<vmem>> -> memref<1x48x128xf32, #tpu.memory_space<vmem>>
      %dma_wait3A_181 = tpu.memref_squeeze %dma_wait3A_180 : memref<1x48x128xf32, #tpu.memory_space<vmem>> -> memref<48x128xf32, #tpu.memory_space<vmem>>
      %dma_wait3A_182 = arith.constant 0 : i32
      %dma_wait3A_183 = arith.constant 0 : i32
      %dma_wait3A_184 = tpu.memref_slice %arg9[%run_scoped3A, %dma_wait3A_182, %dma_wait3A_183] : memref<2x128x128xf32, #tpu.memory_space<vmem>> -> memref<1x48x128xf32, #tpu.memory_space<vmem>>
      %dma_wait3A_185 = tpu.memref_squeeze %dma_wait3A_184 : memref<1x48x128xf32, #tpu.memory_space<vmem>> -> memref<48x128xf32, #tpu.memory_space<vmem>>
      tpu.wait_dma2 semaphore(%run_scoped3A_169 : memref<!tpu.dma_semaphore, #tpu.memory_space<semaphore_mem>>) src(%arg5 : memref<48x128xf32, #tpu.memory_space<hbm>>) dst(%dma_wait3A_185 : memref<48x128xf32, #tpu.memory_space<vmem>>)
      tpu.yield
    }) : () -> ()
    %scan3A = arith.constant 0 : i32
    %scan3A_1 = arith.constant 0 : i32
    %scan3A_2 = arith.constant 0 : i32
    %scan3A_3 = arith.constant 13 : i32
    %scan3A_4 = arith.addi %scan3A_2, %scan3A_3 : i32
    %scan3A_5 = arith.constant 1 : i32
    scf.for %scan3A_169 = %scan3A_2 to %scan3A_4 step %scan3A_5  : i32 {
      %mul3A_170 = arith.constant 624 : i32
      %mul3A_171 = arith.muli %arg1, %mul3A_170 : i32
      %mul3A_172 = arith.constant 48 : i32
      %mul3A_173 = arith.muli %scan3A_169, %mul3A_172 : i32
      %add3A_174 = arith.addi %mul3A_171, %mul3A_173 : i32
      "tpu.region"() ({
        %run_scoped3A_175 = tpu.sem_alloc : memref<!tpu.dma_semaphore, #tpu.memory_space<semaphore_mem>>
        %dma_start3A_176 = arith.constant 0 : i32
        %dma_start3A_177 = arith.constant 0 : i32
        %dma_start3A_178 = tpu.memref_slice %arg9[%scan3A_1, %dma_start3A_176, %dma_start3A_177] : memref<2x128x128xf32, #tpu.memory_space<vmem>> -> memref<1x48x128xf32, #tpu.memory_space<vmem>>
        %dma_start3A_179 = tpu.memref_squeeze %dma_start3A_178 : memref<1x48x128xf32, #tpu.memory_space<vmem>> -> memref<48x128xf32, #tpu.memory_space<vmem>>
        %dma_start3A_180 = arith.constant 0 : i32
        %dma_start3A_181 = tpu.memref_slice %arg10[%add3A_174, %dma_start3A_180] : memref<10032x128xf32, #tpu.memory_space<vmem_shared>> -> memref<48x128xf32, #tpu.memory_space<vmem_shared>>
        %dma_start3A_182 = arith.constant 0 : i32
        %dma_start3A_183 = tpu.memref_slice %arg10[%add3A_174, %dma_start3A_182] : memref<10032x128xf32, #tpu.memory_space<vmem_shared>> -> memref<48x128xf32, #tpu.memory_space<vmem_shared>>
        %dma_start3A_184 = arith.constant 0 : i32
        %dma_start3A_185 = arith.constant 0 : i32
        %dma_start3A_186 = tpu.memref_slice %arg9[%scan3A_1, %dma_start3A_184, %dma_start3A_185] : memref<2x128x128xf32, #tpu.memory_space<vmem>> -> memref<1x48x128xf32, #tpu.memory_space<vmem>>
        %dma_start3A_187 = tpu.memref_squeeze %dma_start3A_186 : memref<1x48x128xf32, #tpu.memory_space<vmem>> -> memref<48x128xf32, #tpu.memory_space<vmem>>
        tpu.enqueue_dma source(%dma_start3A_187 : memref<48x128xf32, #tpu.memory_space<vmem>>) target(%dma_start3A_183 : memref<48x128xf32, #tpu.memory_space<vmem_shared>>) target_semaphore(%run_scoped3A_175 : memref<!tpu.dma_semaphore, #tpu.memory_space<semaphore_mem>>)
        %dma_wait3A_188 = arith.constant 0 : i32
        %dma_wait3A_189 = arith.constant 0 : i32
        %dma_wait3A_190 = tpu.memref_slice %arg9[%scan3A_1, %dma_wait3A_188, %dma_wait3A_189] : memref<2x128x128xf32, #tpu.memory_space<vmem>> -> memref<1x48x128xf32, #tpu.memory_space<vmem>>
        %dma_wait3A_191 = tpu.memref_squeeze %dma_wait3A_190 : memref<1x48x128xf32, #tpu.memory_space<vmem>> -> memref<48x128xf32, #tpu.memory_space<vmem>>
        %dma_wait3A_192 = arith.constant 0 : i32
        %dma_wait3A_193 = tpu.memref_slice %arg10[%add3A_174, %dma_wait3A_192] : memref<10032x128xf32, #tpu.memory_space<vmem_shared>> -> memref<48x128xf32, #tpu.memory_space<vmem_shared>>
        %dma_wait3A_194 = arith.constant 0 : i32
        %dma_wait3A_195 = tpu.memref_slice %arg10[%add3A_174, %dma_wait3A_194] : memref<10032x128xf32, #tpu.memory_space<vmem_shared>> -> memref<48x128xf32, #tpu.memory_space<vmem_shared>>
        %dma_wait3A_196 = arith.constant 0 : i32
        %dma_wait3A_197 = arith.constant 0 : i32
        %dma_wait3A_198 = tpu.memref_slice %arg9[%scan3A_1, %dma_wait3A_196, %dma_wait3A_197] : memref<2x128x128xf32, #tpu.memory_space<vmem>> -> memref<1x48x128xf32, #tpu.memory_space<vmem>>
        %dma_wait3A_199 = tpu.memref_squeeze %dma_wait3A_198 : memref<1x48x128xf32, #tpu.memory_space<vmem>> -> memref<48x128xf32, #tpu.memory_space<vmem>>
        tpu.wait_dma2 semaphore(%run_scoped3A_175 : memref<!tpu.dma_semaphore, #tpu.memory_space<semaphore_mem>>) src(%dma_wait3A_199 : memref<48x128xf32, #tpu.memory_space<vmem>>) dst(%dma_wait3A_195 : memref<48x128xf32, #tpu.memory_space<vmem_shared>>)
        tpu.yield
      }) : () -> ()
    }
    %scan3A_6 = arith.constant 13 : i32
    %eq3A = arith.constant 15 : i32
    %eq3A_7 = arith.cmpi eq, %arg1, %eq3A : i32
    %convert_element_type3A = arith.extui %eq3A_7 : i1 to i32
    %cond3A = arith.constant 0 : i32
    %cond3A_8 = arith.cmpi ne, %convert_element_type3A, %cond3A : i32
    scf.if %cond3A_8 {
      %run_scoped3A_169 = arith.constant 0 : i32
      "tpu.region"() ({
        %run_scoped3A_170 = tpu.sem_alloc : memref<!tpu.dma_semaphore, #tpu.memory_space<semaphore_mem>>
        %dma_start3A_171 = arith.constant 0 : i32
        %dma_start3A_172 = arith.constant 0 : i32
        %dma_start3A_173 = tpu.memref_slice %arg9[%run_scoped3A_169, %dma_start3A_171, %dma_start3A_172] : memref<2x128x128xf32, #tpu.memory_space<vmem>> -> memref<1x48x128xf32, #tpu.memory_space<vmem>>
        %dma_start3A_174 = tpu.memref_squeeze %dma_start3A_173 : memref<1x48x128xf32, #tpu.memory_space<vmem>> -> memref<48x128xf32, #tpu.memory_space<vmem>>
        %dma_start3A_175 = arith.constant 9984 : i32
        %dma_start3A_176 = arith.constant 0 : i32
        %dma_start3A_177 = tpu.memref_slice %arg10[%dma_start3A_175, %dma_start3A_176] : memref<10032x128xf32, #tpu.memory_space<vmem_shared>> -> memref<48x128xf32, #tpu.memory_space<vmem_shared>>
        %dma_start3A_178 = arith.constant 9984 : i32
        %dma_start3A_179 = arith.constant 0 : i32
        %dma_start3A_180 = tpu.memref_slice %arg10[%dma_start3A_178, %dma_start3A_179] : memref<10032x128xf32, #tpu.memory_space<vmem_shared>> -> memref<48x128xf32, #tpu.memory_space<vmem_shared>>
        %dma_start3A_181 = arith.constant 0 : i32
        %dma_start3A_182 = arith.constant 0 : i32
        %dma_start3A_183 = tpu.memref_slice %arg9[%run_scoped3A_169, %dma_start3A_181, %dma_start3A_182] : memref<2x128x128xf32, #tpu.memory_space<vmem>> -> memref<1x48x128xf32, #tpu.memory_space<vmem>>
        %dma_start3A_184 = tpu.memref_squeeze %dma_start3A_183 : memref<1x48x128xf32, #tpu.memory_space<vmem>> -> memref<48x128xf32, #tpu.memory_space<vmem>>
        tpu.enqueue_dma source(%dma_start3A_184 : memref<48x128xf32, #tpu.memory_space<vmem>>) target(%dma_start3A_180 : memref<48x128xf32, #tpu.memory_space<vmem_shared>>) target_semaphore(%run_scoped3A_170 : memref<!tpu.dma_semaphore, #tpu.memory_space<semaphore_mem>>)
        %dma_wait3A_185 = arith.constant 0 : i32
        %dma_wait3A_186 = arith.constant 0 : i32
        %dma_wait3A_187 = tpu.memref_slice %arg9[%run_scoped3A_169, %dma_wait3A_185, %dma_wait3A_186] : memref<2x128x128xf32, #tpu.memory_space<vmem>> -> memref<1x48x128xf32, #tpu.memory_space<vmem>>
        %dma_wait3A_188 = tpu.memref_squeeze %dma_wait3A_187 : memref<1x48x128xf32, #tpu.memory_space<vmem>> -> memref<48x128xf32, #tpu.memory_space<vmem>>
        %dma_wait3A_189 = arith.constant 9984 : i32
        %dma_wait3A_190 = arith.constant 0 : i32
        %dma_wait3A_191 = tpu.memref_slice %arg10[%dma_wait3A_189, %dma_wait3A_190] : memref<10032x128xf32, #tpu.memory_space<vmem_shared>> -> memref<48x128xf32, #tpu.memory_space<vmem_shared>>
        %dma_wait3A_192 = arith.constant 9984 : i32
        %dma_wait3A_193 = arith.constant 0 : i32
        %dma_wait3A_194 = tpu.memref_slice %arg10[%dma_wait3A_192, %dma_wait3A_193] : memref<10032x128xf32, #tpu.memory_space<vmem_shared>> -> memref<48x128xf32, #tpu.memory_space<vmem_shared>>
        %dma_wait3A_195 = arith.constant 0 : i32
        %dma_wait3A_196 = arith.constant 0 : i32
        %dma_wait3A_197 = tpu.memref_slice %arg9[%run_scoped3A_169, %dma_wait3A_195, %dma_wait3A_196] : memref<2x128x128xf32, #tpu.memory_space<vmem>> -> memref<1x48x128xf32, #tpu.memory_space<vmem>>
        %dma_wait3A_198 = tpu.memref_squeeze %dma_wait3A_197 : memref<1x48x128xf32, #tpu.memory_space<vmem>> -> memref<48x128xf32, #tpu.memory_space<vmem>>
        tpu.wait_dma2 semaphore(%run_scoped3A_170 : memref<!tpu.dma_semaphore, #tpu.memory_space<semaphore_mem>>) src(%dma_wait3A_198 : memref<48x128xf32, #tpu.memory_space<vmem>>) dst(%dma_wait3A_194 : memref<48x128xf32, #tpu.memory_space<vmem_shared>>)
        tpu.yield
      }) : () -> ()
    } else {
    }
    %mul3A_9 = arith.constant 10112 : i32
    %mul3A_10 = arith.muli %add3A, %mul3A_9 : i32
    "tpu.region"() ({
      %run_scoped3A_169 = tpu.sem_alloc : memref<!tpu.dma_semaphore, #tpu.memory_space<semaphore_mem>>
      %dma_start3A_170 = arith.constant 0 : i32
      %dma_start3A_171 = tpu.memref_slice %arg7[%dma_start3A_170] : memref<5120xi32, #tpu.memory_space<vmem>> -> memref<5120xi32, #tpu.memory_space<vmem>>
      %dma_start3A_172 = tpu.memref_slice %arg2[%mul3A_10] : memref<323584xi32, #tpu.memory_space<hbm>> -> memref<5120xi32, #tpu.memory_space<hbm>>
      %dma_start3A_173 = arith.constant 0 : i32
      %dma_start3A_174 = tpu.memref_slice %arg7[%dma_start3A_173] : memref<5120xi32, #tpu.memory_space<vmem>> -> memref<5120xi32, #tpu.memory_space<vmem>>
      %dma_start3A_175 = tpu.memref_slice %arg2[%mul3A_10] : memref<323584xi32, #tpu.memory_space<hbm>> -> memref<5120xi32, #tpu.memory_space<hbm>>
      tpu.enqueue_dma source(%dma_start3A_175 : memref<5120xi32, #tpu.memory_space<hbm>>) target(%dma_start3A_174 : memref<5120xi32, #tpu.memory_space<vmem>>) target_semaphore(%run_scoped3A_169 : memref<!tpu.dma_semaphore, #tpu.memory_space<semaphore_mem>>)
      %dma_wait3A_176 = arith.constant 0 : i32
      %dma_wait3A_177 = tpu.memref_slice %arg7[%dma_wait3A_176] : memref<5120xi32, #tpu.memory_space<vmem>> -> memref<5120xi32, #tpu.memory_space<vmem>>
      %dma_wait3A_178 = tpu.memref_slice %arg2[%mul3A_10] : memref<323584xi32, #tpu.memory_space<hbm>> -> memref<5120xi32, #tpu.memory_space<hbm>>
      %dma_wait3A_179 = arith.constant 0 : i32
      %dma_wait3A_180 = tpu.memref_slice %arg7[%dma_wait3A_179] : memref<5120xi32, #tpu.memory_space<vmem>> -> memref<5120xi32, #tpu.memory_space<vmem>>
      %dma_wait3A_181 = tpu.memref_slice %arg2[%mul3A_10] : memref<323584xi32, #tpu.memory_space<hbm>> -> memref<5120xi32, #tpu.memory_space<hbm>>
      tpu.wait_dma2 semaphore(%run_scoped3A_169 : memref<!tpu.dma_semaphore, #tpu.memory_space<semaphore_mem>>) src(%dma_wait3A_181 : memref<5120xi32, #tpu.memory_space<hbm>>) dst(%dma_wait3A_180 : memref<5120xi32, #tpu.memory_space<vmem>>)
      tpu.yield
    }) : () -> ()
    "tpu.region"() ({
      %run_scoped3A_169 = tpu.sem_alloc : memref<!tpu.dma_semaphore, #tpu.memory_space<semaphore_mem>>
      %dma_start3A_170 = arith.constant 0 : i32
      %dma_start3A_171 = arith.constant 0 : i32
      %dma_start3A_172 = tpu.memref_slice %arg3[%add3A, %dma_start3A_170, %dma_start3A_171] : memref<32x79x128xi32, #tpu.memory_space<hbm>> -> memref<1x79x128xi32, #tpu.memory_space<hbm>>
      %dma_start3A_173 = tpu.memref_squeeze %dma_start3A_172 : memref<1x79x128xi32, #tpu.memory_space<hbm>> -> memref<79x128xi32, #tpu.memory_space<hbm>>
      %dma_start3A_174 = arith.constant 0 : i32
      %dma_start3A_175 = arith.constant 0 : i32
      %dma_start3A_176 = tpu.memref_slice %arg3[%add3A, %dma_start3A_174, %dma_start3A_175] : memref<32x79x128xi32, #tpu.memory_space<hbm>> -> memref<1x79x128xi32, #tpu.memory_space<hbm>>
      %dma_start3A_177 = tpu.memref_squeeze %dma_start3A_176 : memref<1x79x128xi32, #tpu.memory_space<hbm>> -> memref<79x128xi32, #tpu.memory_space<hbm>>
      tpu.enqueue_dma source(%dma_start3A_177 : memref<79x128xi32, #tpu.memory_space<hbm>>) target(%arg8 : memref<79x128xi32, #tpu.memory_space<vmem>>) target_semaphore(%run_scoped3A_169 : memref<!tpu.dma_semaphore, #tpu.memory_space<semaphore_mem>>)
      %dma_wait3A_178 = arith.constant 0 : i32
      %dma_wait3A_179 = arith.constant 0 : i32
      %dma_wait3A_180 = tpu.memref_slice %arg3[%add3A, %dma_wait3A_178, %dma_wait3A_179] : memref<32x79x128xi32, #tpu.memory_space<hbm>> -> memref<1x79x128xi32, #tpu.memory_space<hbm>>
      %dma_wait3A_181 = tpu.memref_squeeze %dma_wait3A_180 : memref<1x79x128xi32, #tpu.memory_space<hbm>> -> memref<79x128xi32, #tpu.memory_space<hbm>>
      %dma_wait3A_182 = arith.constant 0 : i32
      %dma_wait3A_183 = arith.constant 0 : i32
      %dma_wait3A_184 = tpu.memref_slice %arg3[%add3A, %dma_wait3A_182, %dma_wait3A_183] : memref<32x79x128xi32, #tpu.memory_space<hbm>> -> memref<1x79x128xi32, #tpu.memory_space<hbm>>
      %dma_wait3A_185 = tpu.memref_squeeze %dma_wait3A_184 : memref<1x79x128xi32, #tpu.memory_space<hbm>> -> memref<79x128xi32, #tpu.memory_space<hbm>>
      tpu.wait_dma2 semaphore(%run_scoped3A_169 : memref<!tpu.dma_semaphore, #tpu.memory_space<semaphore_mem>>) src(%dma_wait3A_185 : memref<79x128xi32, #tpu.memory_space<hbm>>) dst(%arg8 : memref<79x128xi32, #tpu.memory_space<vmem>>)
      tpu.yield
    }) : () -> ()
    %barrier3A = arith.constant 0 : index
    tpu.barrier barrier_id(%barrier3A)
    %jit3A = arith.constant true
    %jit3A_11 = arith.constant 0 : i32
    %jit3A_12 = arith.constant -5120 : i32
    %select_n3A = arith.select %jit3A, %jit3A_11, %jit3A_12 : i32
    %dma_start3A = arith.constant 0 : i32
    %dma_start3A_13 = arith.constant 0 : i32
    %dma_start3A_14 = arith.constant 0 : i32
    %dma_start3A_15 = tpu.memref_slice %arg9[%dma_start3A, %dma_start3A_13, %dma_start3A_14] : memref<2x128x128xf32, #tpu.memory_space<vmem>> -> memref<1x128x128xf32, #tpu.memory_space<vmem>>
    %dma_start3A_16 = tpu.memref_squeeze %dma_start3A_15 : memref<1x128x128xf32, #tpu.memory_space<vmem>> -> memref<128x128xf32, #tpu.memory_space<vmem>>
    %dma_start3A_17 = tpu.memref_slice %arg7[%select_n3A] : memref<5120xi32, #tpu.memory_space<vmem>> -> memref<128xi32, #tpu.memory_space<vmem>>
    %dma_start3A_18 = arith.constant 0 : i32
    %dma_start3A_19 = arith.constant 0 : i32
    %dma_start3A_20 = tpu.memref_slice %arg4[%dma_start3A_18, %dma_start3A_19] : memref<10000x128xf32, #tpu.memory_space<hbm>> -> memref<10000x128xf32, #tpu.memory_space<hbm>>
    tpu.enqueue_indirect_dma source(%dma_start3A_20 : memref<10000x128xf32, #tpu.memory_space<hbm>>) target(%dma_start3A_16 : memref<128x128xf32, #tpu.memory_space<vmem>>) offsets(%dma_start3A_17 : memref<128xi32, #tpu.memory_space<vmem>>) semaphore(%arg11 : memref<!tpu.dma_semaphore, #tpu.memory_space<semaphore_mem>>)
    %dma_wait3A = arith.constant 0 : i32
    %dma_wait3A_21 = arith.constant 0 : i32
    %dma_wait3A_22 = arith.constant 0 : i32
    %dma_wait3A_23 = tpu.memref_slice %arg9[%dma_wait3A, %dma_wait3A_21, %dma_wait3A_22] : memref<2x128x128xf32, #tpu.memory_space<vmem>> -> memref<1x128x128xf32, #tpu.memory_space<vmem>>
    %dma_wait3A_24 = tpu.memref_squeeze %dma_wait3A_23 : memref<1x128x128xf32, #tpu.memory_space<vmem>> -> memref<128x128xf32, #tpu.memory_space<vmem>>
    %dma_wait3A_25 = arith.constant 0 : i32
    %dma_wait3A_26 = tpu.memref_slice %arg7[%dma_wait3A_25] : memref<5120xi32, #tpu.memory_space<vmem>> -> memref<128xi32, #tpu.memory_space<vmem>>
    %dma_wait3A_27 = arith.constant 0 : i32
    %dma_wait3A_28 = arith.constant 0 : i32
    %dma_wait3A_29 = tpu.memref_slice %arg4[%dma_wait3A_27, %dma_wait3A_28] : memref<10000x128xf32, #tpu.memory_space<hbm>> -> memref<10000x128xf32, #tpu.memory_space<hbm>>
    tpu.wait_indirect_dma semaphore(%arg11 : memref<!tpu.dma_semaphore, #tpu.memory_space<semaphore_mem>>) src(%dma_wait3A_29 : memref<10000x128xf32, #tpu.memory_space<hbm>>) dst(%dma_wait3A_24 : memref<128x128xf32, #tpu.memory_space<vmem>>)
    %dma_start3A_30 = arith.constant 0 : i32
    %dma_start3A_31 = arith.constant 0 : i32
    %dma_start3A_32 = arith.constant 0 : i32
    %dma_start3A_33 = arith.constant 0 : i32
    %dma_start3A_34 = tpu.memref_slice %arg9[%dma_start3A_30, %dma_start3A_32, %dma_start3A_33] : memref<2x128x128xf32, #tpu.memory_space<vmem>> -> memref<1x128x128xf32, #tpu.memory_space<vmem>>
    %dma_start3A_35 = tpu.memref_squeeze %dma_start3A_34 : memref<1x128x128xf32, #tpu.memory_space<vmem>> -> memref<128x128xf32, #tpu.memory_space<vmem>>
    %dma_start3A_36 = arith.constant 0 : i32
    %dma_start3A_37 = tpu.memref_slice %arg8[%dma_start3A_31, %dma_start3A_36] : memref<79x128xi32, #tpu.memory_space<vmem>> -> memref<1x128xi32, #tpu.memory_space<vmem>>
    %dma_start3A_38 = tpu.memref_squeeze %dma_start3A_37 : memref<1x128xi32, #tpu.memory_space<vmem>> -> memref<128xi32, #tpu.memory_space<vmem>>
    %dma_start3A_39 = arith.constant 0 : i32
    %dma_start3A_40 = arith.constant 0 : i32
    %dma_start3A_41 = tpu.memref_slice %arg10[%dma_start3A_39, %dma_start3A_40] : memref<10032x128xf32, #tpu.memory_space<vmem_shared>> -> memref<10032x128xf32, #tpu.memory_space<vmem_shared>>
    tpu.enqueue_indirect_dma source(%dma_start3A_35 : memref<128x128xf32, #tpu.memory_space<vmem>>) target(%dma_start3A_41 : memref<10032x128xf32, #tpu.memory_space<vmem_shared>>) offsets(%dma_start3A_38 : memref<128xi32, #tpu.memory_space<vmem>>) semaphore(%arg13 : memref<!tpu.dma_semaphore, #tpu.memory_space<semaphore_mem>>) {add = true}
    %jit3A_42 = arith.constant true
    %jit3A_43 = arith.constant 128 : i32
    %jit3A_44 = arith.constant -4992 : i32
    %select_n3A_45 = arith.select %jit3A_42, %jit3A_43, %jit3A_44 : i32
    %dma_start3A_46 = arith.constant 1 : i32
    %dma_start3A_47 = arith.constant 0 : i32
    %dma_start3A_48 = arith.constant 0 : i32
    %dma_start3A_49 = tpu.memref_slice %arg9[%dma_start3A_46, %dma_start3A_47, %dma_start3A_48] : memref<2x128x128xf32, #tpu.memory_space<vmem>> -> memref<1x128x128xf32, #tpu.memory_space<vmem>>
    %dma_start3A_50 = tpu.memref_squeeze %dma_start3A_49 : memref<1x128x128xf32, #tpu.memory_space<vmem>> -> memref<128x128xf32, #tpu.memory_space<vmem>>
    %dma_start3A_51 = tpu.memref_slice %arg7[%select_n3A_45] : memref<5120xi32, #tpu.memory_space<vmem>> -> memref<128xi32, #tpu.memory_space<vmem>>
    %dma_start3A_52 = arith.constant 0 : i32
    %dma_start3A_53 = arith.constant 0 : i32
    %dma_start3A_54 = tpu.memref_slice %arg4[%dma_start3A_52, %dma_start3A_53] : memref<10000x128xf32, #tpu.memory_space<hbm>> -> memref<10000x128xf32, #tpu.memory_space<hbm>>
    tpu.enqueue_indirect_dma source(%dma_start3A_54 : memref<10000x128xf32, #tpu.memory_space<hbm>>) target(%dma_start3A_50 : memref<128x128xf32, #tpu.memory_space<vmem>>) offsets(%dma_start3A_51 : memref<128xi32, #tpu.memory_space<vmem>>) semaphore(%arg12 : memref<!tpu.dma_semaphore, #tpu.memory_space<semaphore_mem>>)
    %dma_wait3A_55 = arith.constant 1 : i32
    %dma_wait3A_56 = arith.constant 0 : i32
    %dma_wait3A_57 = arith.constant 0 : i32
    %dma_wait3A_58 = tpu.memref_slice %arg9[%dma_wait3A_55, %dma_wait3A_56, %dma_wait3A_57] : memref<2x128x128xf32, #tpu.memory_space<vmem>> -> memref<1x128x128xf32, #tpu.memory_space<vmem>>
    %dma_wait3A_59 = tpu.memref_squeeze %dma_wait3A_58 : memref<1x128x128xf32, #tpu.memory_space<vmem>> -> memref<128x128xf32, #tpu.memory_space<vmem>>
    %dma_wait3A_60 = arith.constant 0 : i32
    %dma_wait3A_61 = tpu.memref_slice %arg7[%dma_wait3A_60] : memref<5120xi32, #tpu.memory_space<vmem>> -> memref<128xi32, #tpu.memory_space<vmem>>
    %dma_wait3A_62 = arith.constant 0 : i32
    %dma_wait3A_63 = arith.constant 0 : i32
    %dma_wait3A_64 = tpu.memref_slice %arg4[%dma_wait3A_62, %dma_wait3A_63] : memref<10000x128xf32, #tpu.memory_space<hbm>> -> memref<10000x128xf32, #tpu.memory_space<hbm>>
    tpu.wait_indirect_dma semaphore(%arg12 : memref<!tpu.dma_semaphore, #tpu.memory_space<semaphore_mem>>) src(%dma_wait3A_64 : memref<10000x128xf32, #tpu.memory_space<hbm>>) dst(%dma_wait3A_59 : memref<128x128xf32, #tpu.memory_space<vmem>>)
    %dma_start3A_65 = arith.constant 1 : i32
    %dma_start3A_66 = arith.constant 1 : i32
    %dma_start3A_67 = arith.constant 0 : i32
    %dma_start3A_68 = arith.constant 0 : i32
    %dma_start3A_69 = tpu.memref_slice %arg9[%dma_start3A_65, %dma_start3A_67, %dma_start3A_68] : memref<2x128x128xf32, #tpu.memory_space<vmem>> -> memref<1x128x128xf32, #tpu.memory_space<vmem>>
    %dma_start3A_70 = tpu.memref_squeeze %dma_start3A_69 : memref<1x128x128xf32, #tpu.memory_space<vmem>> -> memref<128x128xf32, #tpu.memory_space<vmem>>
    %dma_start3A_71 = arith.constant 0 : i32
    %dma_start3A_72 = tpu.memref_slice %arg8[%dma_start3A_66, %dma_start3A_71] : memref<79x128xi32, #tpu.memory_space<vmem>> -> memref<1x128xi32, #tpu.memory_space<vmem>>
    %dma_start3A_73 = tpu.memref_squeeze %dma_start3A_72 : memref<1x128xi32, #tpu.memory_space<vmem>> -> memref<128xi32, #tpu.memory_space<vmem>>
    %dma_start3A_74 = arith.constant 0 : i32
    %dma_start3A_75 = arith.constant 0 : i32
    %dma_start3A_76 = tpu.memref_slice %arg10[%dma_start3A_74, %dma_start3A_75] : memref<10032x128xf32, #tpu.memory_space<vmem_shared>> -> memref<10032x128xf32, #tpu.memory_space<vmem_shared>>
    tpu.enqueue_indirect_dma source(%dma_start3A_70 : memref<128x128xf32, #tpu.memory_space<vmem>>) target(%dma_start3A_76 : memref<10032x128xf32, #tpu.memory_space<vmem_shared>>) offsets(%dma_start3A_73 : memref<128xi32, #tpu.memory_space<vmem>>) semaphore(%arg14 : memref<!tpu.dma_semaphore, #tpu.memory_space<semaphore_mem>>) {add = true}
    %dma_wait3A_77 = arith.constant 0 : i32
    %dma_wait3A_78 = arith.constant 0 : i32
    %dma_wait3A_79 = arith.constant 0 : i32
    %dma_wait3A_80 = arith.constant 0 : i32
    %dma_wait3A_81 = tpu.memref_slice %arg9[%dma_wait3A_77, %dma_wait3A_79, %dma_wait3A_80] : memref<2x128x128xf32, #tpu.memory_space<vmem>> -> memref<1x128x128xf32, #tpu.memory_space<vmem>>
    %dma_wait3A_82 = tpu.memref_squeeze %dma_wait3A_81 : memref<1x128x128xf32, #tpu.memory_space<vmem>> -> memref<128x128xf32, #tpu.memory_space<vmem>>
    %dma_wait3A_83 = arith.constant 0 : i32
    %dma_wait3A_84 = tpu.memref_slice %arg8[%dma_wait3A_78, %dma_wait3A_83] : memref<79x128xi32, #tpu.memory_space<vmem>> -> memref<1x128xi32, #tpu.memory_space<vmem>>
    %dma_wait3A_85 = tpu.memref_squeeze %dma_wait3A_84 : memref<1x128xi32, #tpu.memory_space<vmem>> -> memref<128xi32, #tpu.memory_space<vmem>>
    %dma_wait3A_86 = arith.constant 0 : i32
    %dma_wait3A_87 = arith.constant 0 : i32
    %dma_wait3A_88 = tpu.memref_slice %arg10[%dma_wait3A_86, %dma_wait3A_87] : memref<10032x128xf32, #tpu.memory_space<vmem_shared>> -> memref<10032x128xf32, #tpu.memory_space<vmem_shared>>
    tpu.wait_indirect_dma semaphore(%arg13 : memref<!tpu.dma_semaphore, #tpu.memory_space<semaphore_mem>>) src(%dma_wait3A_82 : memref<128x128xf32, #tpu.memory_space<vmem>>) dst(%dma_wait3A_88 : memref<10032x128xf32, #tpu.memory_space<vmem_shared>>)
    %jit3A_89 = arith.constant true
    %jit3A_90 = arith.constant 256 : i32
    %jit3A_91 = arith.constant -4864 : i32
    %select_n3A_92 = arith.select %jit3A_89, %jit3A_90, %jit3A_91 : i32
    %dma_start3A_93 = arith.constant 0 : i32
    %dma_start3A_94 = arith.constant 0 : i32
    %dma_start3A_95 = arith.constant 0 : i32
    %dma_start3A_96 = tpu.memref_slice %arg9[%dma_start3A_93, %dma_start3A_94, %dma_start3A_95] : memref<2x128x128xf32, #tpu.memory_space<vmem>> -> memref<1x128x128xf32, #tpu.memory_space<vmem>>
    %dma_start3A_97 = tpu.memref_squeeze %dma_start3A_96 : memref<1x128x128xf32, #tpu.memory_space<vmem>> -> memref<128x128xf32, #tpu.memory_space<vmem>>
    %dma_start3A_98 = tpu.memref_slice %arg7[%select_n3A_92] : memref<5120xi32, #tpu.memory_space<vmem>> -> memref<128xi32, #tpu.memory_space<vmem>>
    %dma_start3A_99 = arith.constant 0 : i32
    %dma_start3A_100 = arith.constant 0 : i32
    %dma_start3A_101 = tpu.memref_slice %arg4[%dma_start3A_99, %dma_start3A_100] : memref<10000x128xf32, #tpu.memory_space<hbm>> -> memref<10000x128xf32, #tpu.memory_space<hbm>>
    tpu.enqueue_indirect_dma source(%dma_start3A_101 : memref<10000x128xf32, #tpu.memory_space<hbm>>) target(%dma_start3A_97 : memref<128x128xf32, #tpu.memory_space<vmem>>) offsets(%dma_start3A_98 : memref<128xi32, #tpu.memory_space<vmem>>) semaphore(%arg11 : memref<!tpu.dma_semaphore, #tpu.memory_space<semaphore_mem>>)
    %scan3A_102 = arith.constant 0 : i32
    %scan3A_103 = arith.constant 1 : i32
    %scan3A_104 = arith.constant 0 : i32
    %scan3A_105 = arith.constant 1 : i32
    %scan3A_106 = arith.constant 38 : i32
    %scan3A_107 = arith.addi %scan3A_105, %scan3A_106 : i32
    %scan3A_108 = arith.constant 1 : i32
    scf.for %scan3A_169 = %scan3A_105 to %scan3A_107 step %scan3A_108  : i32 {
      %mul3A_170 = arith.constant 2 : i32
      %mul3A_171 = arith.muli %mul3A_170, %scan3A_169 : i32
      %dma_wait3A_172 = arith.constant 0 : i32
      %dma_wait3A_173 = arith.constant 0 : i32
      %dma_wait3A_174 = arith.constant 0 : i32
      %dma_wait3A_175 = tpu.memref_slice %arg9[%scan3A_103, %dma_wait3A_173, %dma_wait3A_174] : memref<2x128x128xf32, #tpu.memory_space<vmem>> -> memref<1x128x128xf32, #tpu.memory_space<vmem>>
      %dma_wait3A_176 = tpu.memref_squeeze %dma_wait3A_175 : memref<1x128x128xf32, #tpu.memory_space<vmem>> -> memref<128x128xf32, #tpu.memory_space<vmem>>
      %dma_wait3A_177 = arith.constant 0 : i32
      %dma_wait3A_178 = tpu.memref_slice %arg8[%dma_wait3A_172, %dma_wait3A_177] : memref<79x128xi32, #tpu.memory_space<vmem>> -> memref<1x128xi32, #tpu.memory_space<vmem>>
      %dma_wait3A_179 = tpu.memref_squeeze %dma_wait3A_178 : memref<1x128xi32, #tpu.memory_space<vmem>> -> memref<128xi32, #tpu.memory_space<vmem>>
      %dma_wait3A_180 = arith.constant 0 : i32
      %dma_wait3A_181 = arith.constant 0 : i32
      %dma_wait3A_182 = tpu.memref_slice %arg10[%dma_wait3A_180, %dma_wait3A_181] : memref<10032x128xf32, #tpu.memory_space<vmem_shared>> -> memref<10032x128xf32, #tpu.memory_space<vmem_shared>>
      tpu.wait_indirect_dma semaphore(%arg14 : memref<!tpu.dma_semaphore, #tpu.memory_space<semaphore_mem>>) src(%dma_wait3A_176 : memref<128x128xf32, #tpu.memory_space<vmem>>) dst(%dma_wait3A_182 : memref<10032x128xf32, #tpu.memory_space<vmem_shared>>)
      %add3A_183 = arith.constant 1 : i32
      %add3A_184 = arith.addi %mul3A_171, %add3A_183 : i32
      %lt3A = arith.constant 40 : i32
      %lt3A_185 = arith.cmpi slt, %add3A_184, %lt3A : i32
      %mul3A_186 = arith.constant 128 : i32
      %mul3A_187 = arith.muli %add3A_184, %mul3A_186 : i32
      %sub3A = arith.constant 40 : i32
      %sub3A_188 = arith.subi %add3A_184, %sub3A : i32
      %mul3A_189 = arith.constant 128 : i32
      %mul3A_190 = arith.muli %sub3A_188, %mul3A_189 : i32
      %select_n3A_191 = arith.select %lt3A_185, %mul3A_187, %mul3A_190 : i32
      %dma_start3A_192 = arith.constant 0 : i32
      %dma_start3A_193 = arith.constant 0 : i32
      %dma_start3A_194 = tpu.memref_slice %arg9[%scan3A_103, %dma_start3A_192, %dma_start3A_193] : memref<2x128x128xf32, #tpu.memory_space<vmem>> -> memref<1x128x128xf32, #tpu.memory_space<vmem>>
      %dma_start3A_195 = tpu.memref_squeeze %dma_start3A_194 : memref<1x128x128xf32, #tpu.memory_space<vmem>> -> memref<128x128xf32, #tpu.memory_space<vmem>>
      %dma_start3A_196 = tpu.memref_slice %arg7[%select_n3A_191] : memref<5120xi32, #tpu.memory_space<vmem>> -> memref<128xi32, #tpu.memory_space<vmem>>
      %dma_start3A_197 = arith.constant 0 : i32
      %dma_start3A_198 = arith.constant 0 : i32
      %dma_start3A_199 = tpu.memref_slice %arg4[%dma_start3A_197, %dma_start3A_198] : memref<10000x128xf32, #tpu.memory_space<hbm>> -> memref<10000x128xf32, #tpu.memory_space<hbm>>
      tpu.enqueue_indirect_dma source(%dma_start3A_199 : memref<10000x128xf32, #tpu.memory_space<hbm>>) target(%dma_start3A_195 : memref<128x128xf32, #tpu.memory_space<vmem>>) offsets(%dma_start3A_196 : memref<128xi32, #tpu.memory_space<vmem>>) semaphore(%arg12 : memref<!tpu.dma_semaphore, #tpu.memory_space<semaphore_mem>>)
      %dma_wait3A_200 = arith.constant 0 : i32
      %dma_wait3A_201 = arith.constant 0 : i32
      %dma_wait3A_202 = tpu.memref_slice %arg9[%scan3A_104, %dma_wait3A_200, %dma_wait3A_201] : memref<2x128x128xf32, #tpu.memory_space<vmem>> -> memref<1x128x128xf32, #tpu.memory_space<vmem>>
      %dma_wait3A_203 = tpu.memref_squeeze %dma_wait3A_202 : memref<1x128x128xf32, #tpu.memory_space<vmem>> -> memref<128x128xf32, #tpu.memory_space<vmem>>
      %dma_wait3A_204 = arith.constant 0 : i32
      %dma_wait3A_205 = tpu.memref_slice %arg7[%dma_wait3A_204] : memref<5120xi32, #tpu.memory_space<vmem>> -> memref<128xi32, #tpu.memory_space<vmem>>
      %dma_wait3A_206 = arith.constant 0 : i32
      %dma_wait3A_207 = arith.constant 0 : i32
      %dma_wait3A_208 = tpu.memref_slice %arg4[%dma_wait3A_206, %dma_wait3A_207] : memref<10000x128xf32, #tpu.memory_space<hbm>> -> memref<10000x128xf32, #tpu.memory_space<hbm>>
      tpu.wait_indirect_dma semaphore(%arg11 : memref<!tpu.dma_semaphore, #tpu.memory_space<semaphore_mem>>) src(%dma_wait3A_208 : memref<10000x128xf32, #tpu.memory_space<hbm>>) dst(%dma_wait3A_203 : memref<128x128xf32, #tpu.memory_space<vmem>>)
      %dma_start3A_209 = arith.constant 0 : i32
      %dma_start3A_210 = arith.constant 0 : i32
      %dma_start3A_211 = tpu.memref_slice %arg9[%scan3A_104, %dma_start3A_209, %dma_start3A_210] : memref<2x128x128xf32, #tpu.memory_space<vmem>> -> memref<1x128x128xf32, #tpu.memory_space<vmem>>
      %dma_start3A_212 = tpu.memref_squeeze %dma_start3A_211 : memref<1x128x128xf32, #tpu.memory_space<vmem>> -> memref<128x128xf32, #tpu.memory_space<vmem>>
      %dma_start3A_213 = arith.constant 0 : i32
      %dma_start3A_214 = tpu.memref_slice %arg8[%mul3A_171, %dma_start3A_213] : memref<79x128xi32, #tpu.memory_space<vmem>> -> memref<1x128xi32, #tpu.memory_space<vmem>>
      %dma_start3A_215 = tpu.memref_squeeze %dma_start3A_214 : memref<1x128xi32, #tpu.memory_space<vmem>> -> memref<128xi32, #tpu.memory_space<vmem>>
      %dma_start3A_216 = arith.constant 0 : i32
      %dma_start3A_217 = arith.constant 0 : i32
      %dma_start3A_218 = tpu.memref_slice %arg10[%dma_start3A_216, %dma_start3A_217] : memref<10032x128xf32, #tpu.memory_space<vmem_shared>> -> memref<10032x128xf32, #tpu.memory_space<vmem_shared>>
      tpu.enqueue_indirect_dma source(%dma_start3A_212 : memref<128x128xf32, #tpu.memory_space<vmem>>) target(%dma_start3A_218 : memref<10032x128xf32, #tpu.memory_space<vmem_shared>>) offsets(%dma_start3A_215 : memref<128xi32, #tpu.memory_space<vmem>>) semaphore(%arg13 : memref<!tpu.dma_semaphore, #tpu.memory_space<semaphore_mem>>) {add = true}
      %dma_wait3A_219 = arith.constant 0 : i32
      %dma_wait3A_220 = arith.constant 0 : i32
      %dma_wait3A_221 = tpu.memref_slice %arg9[%scan3A_103, %dma_wait3A_219, %dma_wait3A_220] : memref<2x128x128xf32, #tpu.memory_space<vmem>> -> memref<1x128x128xf32, #tpu.memory_space<vmem>>
      %dma_wait3A_222 = tpu.memref_squeeze %dma_wait3A_221 : memref<1x128x128xf32, #tpu.memory_space<vmem>> -> memref<128x128xf32, #tpu.memory_space<vmem>>
      %dma_wait3A_223 = arith.constant 0 : i32
      %dma_wait3A_224 = tpu.memref_slice %arg7[%dma_wait3A_223] : memref<5120xi32, #tpu.memory_space<vmem>> -> memref<128xi32, #tpu.memory_space<vmem>>
      %dma_wait3A_225 = arith.constant 0 : i32
      %dma_wait3A_226 = arith.constant 0 : i32
      %dma_wait3A_227 = tpu.memref_slice %arg4[%dma_wait3A_225, %dma_wait3A_226] : memref<10000x128xf32, #tpu.memory_space<hbm>> -> memref<10000x128xf32, #tpu.memory_space<hbm>>
      tpu.wait_indirect_dma semaphore(%arg12 : memref<!tpu.dma_semaphore, #tpu.memory_space<semaphore_mem>>) src(%dma_wait3A_227 : memref<10000x128xf32, #tpu.memory_space<hbm>>) dst(%dma_wait3A_222 : memref<128x128xf32, #tpu.memory_space<vmem>>)
      %eq3A_228 = arith.constant 19 : i32
      %eq3A_229 = arith.cmpi eq, %scan3A_169, %eq3A_228 : i32
      %convert_element_type3A_230 = arith.extui %eq3A_229 : i1 to i32
      %cond3A_231 = arith.constant 0 : i32
      %cond3A_232 = arith.cmpi ne, %convert_element_type3A_230, %cond3A_231 : i32
      scf.if %cond3A_232 {
        %mul3A_275 = arith.constant 10112 : i32
        %mul3A_276 = arith.muli %add3A, %mul3A_275 : i32
        %add3A_277 = arith.constant 5120 : i32
        %add3A_278 = arith.addi %mul3A_276, %add3A_277 : i32
        "tpu.region"() ({
          %run_scoped3A_279 = tpu.sem_alloc : memref<!tpu.dma_semaphore, #tpu.memory_space<semaphore_mem>>
          %dma_start3A_280 = arith.constant 0 : i32
          %dma_start3A_281 = tpu.memref_slice %arg7[%dma_start3A_280] : memref<5120xi32, #tpu.memory_space<vmem>> -> memref<4992xi32, #tpu.memory_space<vmem>>
          %dma_start3A_282 = tpu.memref_slice %arg2[%add3A_278] : memref<323584xi32, #tpu.memory_space<hbm>> -> memref<4992xi32, #tpu.memory_space<hbm>>
          %dma_start3A_283 = arith.constant 0 : i32
          %dma_start3A_284 = tpu.memref_slice %arg7[%dma_start3A_283] : memref<5120xi32, #tpu.memory_space<vmem>> -> memref<4992xi32, #tpu.memory_space<vmem>>
          %dma_start3A_285 = tpu.memref_slice %arg2[%add3A_278] : memref<323584xi32, #tpu.memory_space<hbm>> -> memref<4992xi32, #tpu.memory_space<hbm>>
          tpu.enqueue_dma source(%dma_start3A_285 : memref<4992xi32, #tpu.memory_space<hbm>>) target(%dma_start3A_284 : memref<4992xi32, #tpu.memory_space<vmem>>) target_semaphore(%run_scoped3A_279 : memref<!tpu.dma_semaphore, #tpu.memory_space<semaphore_mem>>)
          %dma_wait3A_286 = arith.constant 0 : i32
          %dma_wait3A_287 = tpu.memref_slice %arg7[%dma_wait3A_286] : memref<5120xi32, #tpu.memory_space<vmem>> -> memref<4992xi32, #tpu.memory_space<vmem>>
          %dma_wait3A_288 = tpu.memref_slice %arg2[%add3A_278] : memref<323584xi32, #tpu.memory_space<hbm>> -> memref<4992xi32, #tpu.memory_space<hbm>>
          %dma_wait3A_289 = arith.constant 0 : i32
          %dma_wait3A_290 = tpu.memref_slice %arg7[%dma_wait3A_289] : memref<5120xi32, #tpu.memory_space<vmem>> -> memref<4992xi32, #tpu.memory_space<vmem>>
          %dma_wait3A_291 = tpu.memref_slice %arg2[%add3A_278] : memref<323584xi32, #tpu.memory_space<hbm>> -> memref<4992xi32, #tpu.memory_space<hbm>>
          tpu.wait_dma2 semaphore(%run_scoped3A_279 : memref<!tpu.dma_semaphore, #tpu.memory_space<semaphore_mem>>) src(%dma_wait3A_291 : memref<4992xi32, #tpu.memory_space<hbm>>) dst(%dma_wait3A_290 : memref<4992xi32, #tpu.memory_space<vmem>>)
          tpu.yield
        }) : () -> ()
      } else {
      }
      %add3A_233 = arith.constant 1 : i32
      %add3A_234 = arith.addi %mul3A_171, %add3A_233 : i32
      %dma_start3A_235 = arith.constant 0 : i32
      %dma_start3A_236 = arith.constant 0 : i32
      %dma_start3A_237 = tpu.memref_slice %arg9[%scan3A_103, %dma_start3A_235, %dma_start3A_236] : memref<2x128x128xf32, #tpu.memory_space<vmem>> -> memref<1x128x128xf32, #tpu.memory_space<vmem>>
      %dma_start3A_238 = tpu.memref_squeeze %dma_start3A_237 : memref<1x128x128xf32, #tpu.memory_space<vmem>> -> memref<128x128xf32, #tpu.memory_space<vmem>>
      %dma_start3A_239 = arith.constant 0 : i32
      %dma_start3A_240 = tpu.memref_slice %arg8[%add3A_234, %dma_start3A_239] : memref<79x128xi32, #tpu.memory_space<vmem>> -> memref<1x128xi32, #tpu.memory_space<vmem>>
      %dma_start3A_241 = tpu.memref_squeeze %dma_start3A_240 : memref<1x128xi32, #tpu.memory_space<vmem>> -> memref<128xi32, #tpu.memory_space<vmem>>
      %dma_start3A_242 = arith.constant 0 : i32
      %dma_start3A_243 = arith.constant 0 : i32
      %dma_start3A_244 = tpu.memref_slice %arg10[%dma_start3A_242, %dma_start3A_243] : memref<10032x128xf32, #tpu.memory_space<vmem_shared>> -> memref<10032x128xf32, #tpu.memory_space<vmem_shared>>
      tpu.enqueue_indirect_dma source(%dma_start3A_238 : memref<128x128xf32, #tpu.memory_space<vmem>>) target(%dma_start3A_244 : memref<10032x128xf32, #tpu.memory_space<vmem_shared>>) offsets(%dma_start3A_241 : memref<128xi32, #tpu.memory_space<vmem>>) semaphore(%arg14 : memref<!tpu.dma_semaphore, #tpu.memory_space<semaphore_mem>>) {add = true}
      %dma_wait3A_245 = arith.constant 0 : i32
      %dma_wait3A_246 = arith.constant 0 : i32
      %dma_wait3A_247 = arith.constant 0 : i32
      %dma_wait3A_248 = tpu.memref_slice %arg9[%scan3A_104, %dma_wait3A_246, %dma_wait3A_247] : memref<2x128x128xf32, #tpu.memory_space<vmem>> -> memref<1x128x128xf32, #tpu.memory_space<vmem>>
      %dma_wait3A_249 = tpu.memref_squeeze %dma_wait3A_248 : memref<1x128x128xf32, #tpu.memory_space<vmem>> -> memref<128x128xf32, #tpu.memory_space<vmem>>
      %dma_wait3A_250 = arith.constant 0 : i32
      %dma_wait3A_251 = tpu.memref_slice %arg8[%dma_wait3A_245, %dma_wait3A_250] : memref<79x128xi32, #tpu.memory_space<vmem>> -> memref<1x128xi32, #tpu.memory_space<vmem>>
      %dma_wait3A_252 = tpu.memref_squeeze %dma_wait3A_251 : memref<1x128xi32, #tpu.memory_space<vmem>> -> memref<128xi32, #tpu.memory_space<vmem>>
      %dma_wait3A_253 = arith.constant 0 : i32
      %dma_wait3A_254 = arith.constant 0 : i32
      %dma_wait3A_255 = tpu.memref_slice %arg10[%dma_wait3A_253, %dma_wait3A_254] : memref<10032x128xf32, #tpu.memory_space<vmem_shared>> -> memref<10032x128xf32, #tpu.memory_space<vmem_shared>>
      tpu.wait_indirect_dma semaphore(%arg13 : memref<!tpu.dma_semaphore, #tpu.memory_space<semaphore_mem>>) src(%dma_wait3A_249 : memref<128x128xf32, #tpu.memory_space<vmem>>) dst(%dma_wait3A_255 : memref<10032x128xf32, #tpu.memory_space<vmem_shared>>)
      %add3A_256 = arith.constant 2 : i32
      %add3A_257 = arith.addi %mul3A_171, %add3A_256 : i32
      %lt3A_258 = arith.constant 40 : i32
      %lt3A_259 = arith.cmpi slt, %add3A_257, %lt3A_258 : i32
      %mul3A_260 = arith.constant 128 : i32
      %mul3A_261 = arith.muli %add3A_257, %mul3A_260 : i32
      %sub3A_262 = arith.constant 40 : i32
      %sub3A_263 = arith.subi %add3A_257, %sub3A_262 : i32
      %mul3A_264 = arith.constant 128 : i32
      %mul3A_265 = arith.muli %sub3A_263, %mul3A_264 : i32
      %select_n3A_266 = arith.select %lt3A_259, %mul3A_261, %mul3A_265 : i32
      %dma_start3A_267 = arith.constant 0 : i32
      %dma_start3A_268 = arith.constant 0 : i32
      %dma_start3A_269 = tpu.memref_slice %arg9[%scan3A_104, %dma_start3A_267, %dma_start3A_268] : memref<2x128x128xf32, #tpu.memory_space<vmem>> -> memref<1x128x128xf32, #tpu.memory_space<vmem>>
      %dma_start3A_270 = tpu.memref_squeeze %dma_start3A_269 : memref<1x128x128xf32, #tpu.memory_space<vmem>> -> memref<128x128xf32, #tpu.memory_space<vmem>>
      %dma_start3A_271 = tpu.memref_slice %arg7[%select_n3A_266] : memref<5120xi32, #tpu.memory_space<vmem>> -> memref<128xi32, #tpu.memory_space<vmem>>
      %dma_start3A_272 = arith.constant 0 : i32
      %dma_start3A_273 = arith.constant 0 : i32
      %dma_start3A_274 = tpu.memref_slice %arg4[%dma_start3A_272, %dma_start3A_273] : memref<10000x128xf32, #tpu.memory_space<hbm>> -> memref<10000x128xf32, #tpu.memory_space<hbm>>
      tpu.enqueue_indirect_dma source(%dma_start3A_274 : memref<10000x128xf32, #tpu.memory_space<hbm>>) target(%dma_start3A_270 : memref<128x128xf32, #tpu.memory_space<vmem>>) offsets(%dma_start3A_271 : memref<128xi32, #tpu.memory_space<vmem>>) semaphore(%arg11 : memref<!tpu.dma_semaphore, #tpu.memory_space<semaphore_mem>>)
    }
    %scan3A_109 = arith.constant 38 : i32
    %dma_wait3A_110 = arith.constant 0 : i32
    %dma_wait3A_111 = arith.constant 0 : i32
    %dma_wait3A_112 = arith.constant 0 : i32
    %dma_wait3A_113 = tpu.memref_slice %arg9[%dma_wait3A_110, %dma_wait3A_111, %dma_wait3A_112] : memref<2x128x128xf32, #tpu.memory_space<vmem>> -> memref<1x128x128xf32, #tpu.memory_space<vmem>>
    %dma_wait3A_114 = tpu.memref_squeeze %dma_wait3A_113 : memref<1x128x128xf32, #tpu.memory_space<vmem>> -> memref<128x128xf32, #tpu.memory_space<vmem>>
    %dma_wait3A_115 = arith.constant 0 : i32
    %dma_wait3A_116 = tpu.memref_slice %arg7[%dma_wait3A_115] : memref<5120xi32, #tpu.memory_space<vmem>> -> memref<128xi32, #tpu.memory_space<vmem>>
    %dma_wait3A_117 = arith.constant 0 : i32
    %dma_wait3A_118 = arith.constant 0 : i32
    %dma_wait3A_119 = tpu.memref_slice %arg4[%dma_wait3A_117, %dma_wait3A_118] : memref<10000x128xf32, #tpu.memory_space<hbm>> -> memref<10000x128xf32, #tpu.memory_space<hbm>>
    tpu.wait_indirect_dma semaphore(%arg11 : memref<!tpu.dma_semaphore, #tpu.memory_space<semaphore_mem>>) src(%dma_wait3A_119 : memref<10000x128xf32, #tpu.memory_space<hbm>>) dst(%dma_wait3A_114 : memref<128x128xf32, #tpu.memory_space<vmem>>)
    %dma_start3A_120 = arith.constant 0 : i32
    %dma_start3A_121 = arith.constant 78 : i32
    %dma_start3A_122 = arith.constant 0 : i32
    %dma_start3A_123 = arith.constant 0 : i32
    %dma_start3A_124 = tpu.memref_slice %arg9[%dma_start3A_120, %dma_start3A_122, %dma_start3A_123] : memref<2x128x128xf32, #tpu.memory_space<vmem>> -> memref<1x128x128xf32, #tpu.memory_space<vmem>>
    %dma_start3A_125 = tpu.memref_squeeze %dma_start3A_124 : memref<1x128x128xf32, #tpu.memory_space<vmem>> -> memref<128x128xf32, #tpu.memory_space<vmem>>
    %dma_start3A_126 = arith.constant 0 : i32
    %dma_start3A_127 = tpu.memref_slice %arg8[%dma_start3A_121, %dma_start3A_126] : memref<79x128xi32, #tpu.memory_space<vmem>> -> memref<1x128xi32, #tpu.memory_space<vmem>>
    %dma_start3A_128 = tpu.memref_squeeze %dma_start3A_127 : memref<1x128xi32, #tpu.memory_space<vmem>> -> memref<128xi32, #tpu.memory_space<vmem>>
    %dma_start3A_129 = arith.constant 0 : i32
    %dma_start3A_130 = arith.constant 0 : i32
    %dma_start3A_131 = tpu.memref_slice %arg10[%dma_start3A_129, %dma_start3A_130] : memref<10032x128xf32, #tpu.memory_space<vmem_shared>> -> memref<10032x128xf32, #tpu.memory_space<vmem_shared>>
    tpu.enqueue_indirect_dma source(%dma_start3A_125 : memref<128x128xf32, #tpu.memory_space<vmem>>) target(%dma_start3A_131 : memref<10032x128xf32, #tpu.memory_space<vmem_shared>>) offsets(%dma_start3A_128 : memref<128xi32, #tpu.memory_space<vmem>>) semaphore(%arg13 : memref<!tpu.dma_semaphore, #tpu.memory_space<semaphore_mem>>) {add = true}
    %dma_wait3A_132 = arith.constant 1 : i32
    %dma_wait3A_133 = arith.constant 0 : i32
    %dma_wait3A_134 = arith.constant 0 : i32
    %dma_wait3A_135 = arith.constant 0 : i32
    %dma_wait3A_136 = tpu.memref_slice %arg9[%dma_wait3A_132, %dma_wait3A_134, %dma_wait3A_135] : memref<2x128x128xf32, #tpu.memory_space<vmem>> -> memref<1x128x128xf32, #tpu.memory_space<vmem>>
    %dma_wait3A_137 = tpu.memref_squeeze %dma_wait3A_136 : memref<1x128x128xf32, #tpu.memory_space<vmem>> -> memref<128x128xf32, #tpu.memory_space<vmem>>
    %dma_wait3A_138 = arith.constant 0 : i32
    %dma_wait3A_139 = tpu.memref_slice %arg8[%dma_wait3A_133, %dma_wait3A_138] : memref<79x128xi32, #tpu.memory_space<vmem>> -> memref<1x128xi32, #tpu.memory_space<vmem>>
    %dma_wait3A_140 = tpu.memref_squeeze %dma_wait3A_139 : memref<1x128xi32, #tpu.memory_space<vmem>> -> memref<128xi32, #tpu.memory_space<vmem>>
    %dma_wait3A_141 = arith.constant 0 : i32
    %dma_wait3A_142 = arith.constant 0 : i32
    %dma_wait3A_143 = tpu.memref_slice %arg10[%dma_wait3A_141, %dma_wait3A_142] : memref<10032x128xf32, #tpu.memory_space<vmem_shared>> -> memref<10032x128xf32, #tpu.memory_space<vmem_shared>>
    tpu.wait_indirect_dma semaphore(%arg14 : memref<!tpu.dma_semaphore, #tpu.memory_space<semaphore_mem>>) src(%dma_wait3A_137 : memref<128x128xf32, #tpu.memory_space<vmem>>) dst(%dma_wait3A_143 : memref<10032x128xf32, #tpu.memory_space<vmem_shared>>)
    %dma_wait3A_144 = arith.constant 0 : i32
    %dma_wait3A_145 = arith.constant 0 : i32
    %dma_wait3A_146 = arith.constant 0 : i32
    %dma_wait3A_147 = arith.constant 0 : i32
    %dma_wait3A_148 = tpu.memref_slice %arg9[%dma_wait3A_144, %dma_wait3A_146, %dma_wait3A_147] : memref<2x128x128xf32, #tpu.memory_space<vmem>> -> memref<1x128x128xf32, #tpu.memory_space<vmem>>
    %dma_wait3A_149 = tpu.memref_squeeze %dma_wait3A_148 : memref<1x128x128xf32, #tpu.memory_space<vmem>> -> memref<128x128xf32, #tpu.memory_space<vmem>>
    %dma_wait3A_150 = arith.constant 0 : i32
    %dma_wait3A_151 = tpu.memref_slice %arg8[%dma_wait3A_145, %dma_wait3A_150] : memref<79x128xi32, #tpu.memory_space<vmem>> -> memref<1x128xi32, #tpu.memory_space<vmem>>
    %dma_wait3A_152 = tpu.memref_squeeze %dma_wait3A_151 : memref<1x128xi32, #tpu.memory_space<vmem>> -> memref<128xi32, #tpu.memory_space<vmem>>
    %dma_wait3A_153 = arith.constant 0 : i32
    %dma_wait3A_154 = arith.constant 0 : i32
    %dma_wait3A_155 = tpu.memref_slice %arg10[%dma_wait3A_153, %dma_wait3A_154] : memref<10032x128xf32, #tpu.memory_space<vmem_shared>> -> memref<10032x128xf32, #tpu.memory_space<vmem_shared>>
    tpu.wait_indirect_dma semaphore(%arg13 : memref<!tpu.dma_semaphore, #tpu.memory_space<semaphore_mem>>) src(%dma_wait3A_149 : memref<128x128xf32, #tpu.memory_space<vmem>>) dst(%dma_wait3A_155 : memref<10032x128xf32, #tpu.memory_space<vmem_shared>>)
    %barrier3A_156 = arith.constant 0 : index
    tpu.barrier barrier_id(%barrier3A_156)
    %scan3A_157 = arith.constant 0 : i32
    %scan3A_158 = arith.constant 0 : i32
    %scan3A_159 = arith.constant 0 : i32
    %scan3A_160 = arith.constant 13 : i32
    %scan3A_161 = arith.addi %scan3A_159, %scan3A_160 : i32
    %scan3A_162 = arith.constant 1 : i32
    scf.for %scan3A_169 = %scan3A_159 to %scan3A_161 step %scan3A_162  : i32 {
      %mul3A_170 = arith.constant 624 : i32
      %mul3A_171 = arith.muli %arg1, %mul3A_170 : i32
      %mul3A_172 = arith.constant 48 : i32
      %mul3A_173 = arith.muli %scan3A_169, %mul3A_172 : i32
      %add3A_174 = arith.addi %mul3A_171, %mul3A_173 : i32
      "tpu.region"() ({
        %run_scoped3A_175 = tpu.sem_alloc : memref<!tpu.dma_semaphore, #tpu.memory_space<semaphore_mem>>
        %dma_start3A_176 = arith.constant 0 : i32
        %dma_start3A_177 = arith.constant 0 : i32
        %dma_start3A_178 = tpu.memref_slice %arg9[%scan3A_158, %dma_start3A_176, %dma_start3A_177] : memref<2x128x128xf32, #tpu.memory_space<vmem>> -> memref<1x48x128xf32, #tpu.memory_space<vmem>>
        %dma_start3A_179 = tpu.memref_squeeze %dma_start3A_178 : memref<1x48x128xf32, #tpu.memory_space<vmem>> -> memref<48x128xf32, #tpu.memory_space<vmem>>
        %dma_start3A_180 = arith.constant 0 : i32
        %dma_start3A_181 = tpu.memref_slice %arg10[%add3A_174, %dma_start3A_180] : memref<10032x128xf32, #tpu.memory_space<vmem_shared>> -> memref<48x128xf32, #tpu.memory_space<vmem_shared>>
        %dma_start3A_182 = arith.constant 0 : i32
        %dma_start3A_183 = arith.constant 0 : i32
        %dma_start3A_184 = tpu.memref_slice %arg9[%scan3A_158, %dma_start3A_182, %dma_start3A_183] : memref<2x128x128xf32, #tpu.memory_space<vmem>> -> memref<1x48x128xf32, #tpu.memory_space<vmem>>
        %dma_start3A_185 = tpu.memref_squeeze %dma_start3A_184 : memref<1x48x128xf32, #tpu.memory_space<vmem>> -> memref<48x128xf32, #tpu.memory_space<vmem>>
        %dma_start3A_186 = arith.constant 0 : i32
        %dma_start3A_187 = tpu.memref_slice %arg10[%add3A_174, %dma_start3A_186] : memref<10032x128xf32, #tpu.memory_space<vmem_shared>> -> memref<48x128xf32, #tpu.memory_space<vmem_shared>>
        tpu.enqueue_dma source(%dma_start3A_187 : memref<48x128xf32, #tpu.memory_space<vmem_shared>>) target(%dma_start3A_185 : memref<48x128xf32, #tpu.memory_space<vmem>>) target_semaphore(%run_scoped3A_175 : memref<!tpu.dma_semaphore, #tpu.memory_space<semaphore_mem>>)
        %dma_wait3A_188 = arith.constant 0 : i32
        %dma_wait3A_189 = arith.constant 0 : i32
        %dma_wait3A_190 = tpu.memref_slice %arg9[%scan3A_158, %dma_wait3A_188, %dma_wait3A_189] : memref<2x128x128xf32, #tpu.memory_space<vmem>> -> memref<1x48x128xf32, #tpu.memory_space<vmem>>
        %dma_wait3A_191 = tpu.memref_squeeze %dma_wait3A_190 : memref<1x48x128xf32, #tpu.memory_space<vmem>> -> memref<48x128xf32, #tpu.memory_space<vmem>>
        %dma_wait3A_192 = arith.constant 0 : i32
        %dma_wait3A_193 = tpu.memref_slice %arg10[%add3A_174, %dma_wait3A_192] : memref<10032x128xf32, #tpu.memory_space<vmem_shared>> -> memref<48x128xf32, #tpu.memory_space<vmem_shared>>
        %dma_wait3A_194 = arith.constant 0 : i32
        %dma_wait3A_195 = arith.constant 0 : i32
        %dma_wait3A_196 = tpu.memref_slice %arg9[%scan3A_158, %dma_wait3A_194, %dma_wait3A_195] : memref<2x128x128xf32, #tpu.memory_space<vmem>> -> memref<1x48x128xf32, #tpu.memory_space<vmem>>
        %dma_wait3A_197 = tpu.memref_squeeze %dma_wait3A_196 : memref<1x48x128xf32, #tpu.memory_space<vmem>> -> memref<48x128xf32, #tpu.memory_space<vmem>>
        %dma_wait3A_198 = arith.constant 0 : i32
        %dma_wait3A_199 = tpu.memref_slice %arg10[%add3A_174, %dma_wait3A_198] : memref<10032x128xf32, #tpu.memory_space<vmem_shared>> -> memref<48x128xf32, #tpu.memory_space<vmem_shared>>
        tpu.wait_dma2 semaphore(%run_scoped3A_175 : memref<!tpu.dma_semaphore, #tpu.memory_space<semaphore_mem>>) src(%dma_wait3A_199 : memref<48x128xf32, #tpu.memory_space<vmem_shared>>) dst(%dma_wait3A_197 : memref<48x128xf32, #tpu.memory_space<vmem>>)
        tpu.yield
      }) : () -> ()
      "tpu.region"() ({
        %run_scoped3A_175 = tpu.sem_alloc : memref<!tpu.dma_semaphore, #tpu.memory_space<semaphore_mem>>
        %dma_start3A_176 = arith.constant 0 : i32
        %dma_start3A_177 = arith.constant 0 : i32
        %dma_start3A_178 = tpu.memref_slice %arg9[%scan3A_158, %dma_start3A_176, %dma_start3A_177] : memref<2x128x128xf32, #tpu.memory_space<vmem>> -> memref<1x48x128xf32, #tpu.memory_space<vmem>>
        %dma_start3A_179 = tpu.memref_squeeze %dma_start3A_178 : memref<1x48x128xf32, #tpu.memory_space<vmem>> -> memref<48x128xf32, #tpu.memory_space<vmem>>
        %dma_start3A_180 = arith.constant 0 : i32
        %dma_start3A_181 = tpu.memref_slice %arg6[%arg0, %add3A_174, %dma_start3A_180] : memref<2x10000x128xf32, #tpu.memory_space<hbm>> -> memref<1x48x128xf32, #tpu.memory_space<hbm>>
        %dma_start3A_182 = tpu.memref_squeeze %dma_start3A_181 : memref<1x48x128xf32, #tpu.memory_space<hbm>> -> memref<48x128xf32, #tpu.memory_space<hbm>>
        %dma_start3A_183 = arith.constant 0 : i32
        %dma_start3A_184 = tpu.memref_slice %arg6[%arg0, %add3A_174, %dma_start3A_183] : memref<2x10000x128xf32, #tpu.memory_space<hbm>> -> memref<1x48x128xf32, #tpu.memory_space<hbm>>
        %dma_start3A_185 = tpu.memref_squeeze %dma_start3A_184 : memref<1x48x128xf32, #tpu.memory_space<hbm>> -> memref<48x128xf32, #tpu.memory_space<hbm>>
        %dma_start3A_186 = arith.constant 0 : i32
        %dma_start3A_187 = arith.constant 0 : i32
        %dma_start3A_188 = tpu.memref_slice %arg9[%scan3A_158, %dma_start3A_186, %dma_start3A_187] : memref<2x128x128xf32, #tpu.memory_space<vmem>> -> memref<1x48x128xf32, #tpu.memory_space<vmem>>
        %dma_start3A_189 = tpu.memref_squeeze %dma_start3A_188 : memref<1x48x128xf32, #tpu.memory_space<vmem>> -> memref<48x128xf32, #tpu.memory_space<vmem>>
        tpu.enqueue_dma source(%dma_start3A_189 : memref<48x128xf32, #tpu.memory_space<vmem>>) target(%dma_start3A_185 : memref<48x128xf32, #tpu.memory_space<hbm>>) target_semaphore(%run_scoped3A_175 : memref<!tpu.dma_semaphore, #tpu.memory_space<semaphore_mem>>)
        %dma_wait3A_190 = arith.constant 0 : i32
        %dma_wait3A_191 = arith.constant 0 : i32
        %dma_wait3A_192 = tpu.memref_slice %arg9[%scan3A_158, %dma_wait3A_190, %dma_wait3A_191] : memref<2x128x128xf32, #tpu.memory_space<vmem>> -> memref<1x48x128xf32, #tpu.memory_space<vmem>>
        %dma_wait3A_193 = tpu.memref_squeeze %dma_wait3A_192 : memref<1x48x128xf32, #tpu.memory_space<vmem>> -> memref<48x128xf32, #tpu.memory_space<vmem>>
        %dma_wait3A_194 = arith.constant 0 : i32
        %dma_wait3A_195 = tpu.memref_slice %arg6[%arg0, %add3A_174, %dma_wait3A_194] : memref<2x10000x128xf32, #tpu.memory_space<hbm>> -> memref<1x48x128xf32, #tpu.memory_space<hbm>>
        %dma_wait3A_196 = tpu.memref_squeeze %dma_wait3A_195 : memref<1x48x128xf32, #tpu.memory_space<hbm>> -> memref<48x128xf32, #tpu.memory_space<hbm>>
        %dma_wait3A_197 = arith.constant 0 : i32
        %dma_wait3A_198 = tpu.memref_slice %arg6[%arg0, %add3A_174, %dma_wait3A_197] : memref<2x10000x128xf32, #tpu.memory_space<hbm>> -> memref<1x48x128xf32, #tpu.memory_space<hbm>>
        %dma_wait3A_199 = tpu.memref_squeeze %dma_wait3A_198 : memref<1x48x128xf32, #tpu.memory_space<hbm>> -> memref<48x128xf32, #tpu.memory_space<hbm>>
        %dma_wait3A_200 = arith.constant 0 : i32
        %dma_wait3A_201 = arith.constant 0 : i32
        %dma_wait3A_202 = tpu.memref_slice %arg9[%scan3A_158, %dma_wait3A_200, %dma_wait3A_201] : memref<2x128x128xf32, #tpu.memory_space<vmem>> -> memref<1x48x128xf32, #tpu.memory_space<vmem>>
        %dma_wait3A_203 = tpu.memref_squeeze %dma_wait3A_202 : memref<1x48x128xf32, #tpu.memory_space<vmem>> -> memref<48x128xf32, #tpu.memory_space<vmem>>
        tpu.wait_dma2 semaphore(%run_scoped3A_175 : memref<!tpu.dma_semaphore, #tpu.memory_space<semaphore_mem>>) src(%dma_wait3A_203 : memref<48x128xf32, #tpu.memory_space<vmem>>) dst(%dma_wait3A_199 : memref<48x128xf32, #tpu.memory_space<hbm>>)
        tpu.yield
      }) : () -> ()
    }
    %scan3A_163 = arith.constant 13 : i32
    %eq3A_164 = arith.constant 15 : i32
    %eq3A_165 = arith.cmpi eq, %arg1, %eq3A_164 : i32
    %convert_element_type3A_166 = arith.extui %eq3A_165 : i1 to i32
    %cond3A_167 = arith.constant 0 : i32
    %cond3A_168 = arith.cmpi ne, %convert_element_type3A_166, %cond3A_167 : i32
    scf.if %cond3A_168 {
      %run_scoped3A_169 = arith.constant 0 : i32
      "tpu.region"() ({
        %run_scoped3A_171 = tpu.sem_alloc : memref<!tpu.dma_semaphore, #tpu.memory_space<semaphore_mem>>
        %dma_start3A_172 = arith.constant 0 : i32
        %dma_start3A_173 = arith.constant 0 : i32
        %dma_start3A_174 = tpu.memref_slice %arg9[%run_scoped3A_169, %dma_start3A_172, %dma_start3A_173] : memref<2x128x128xf32, #tpu.memory_space<vmem>> -> memref<1x16x128xf32, #tpu.memory_space<vmem>>
        %dma_start3A_175 = tpu.memref_squeeze %dma_start3A_174 : memref<1x16x128xf32, #tpu.memory_space<vmem>> -> memref<16x128xf32, #tpu.memory_space<vmem>>
        %dma_start3A_176 = arith.constant 9984 : i32
        %dma_start3A_177 = arith.constant 0 : i32
        %dma_start3A_178 = tpu.memref_slice %arg10[%dma_start3A_176, %dma_start3A_177] : memref<10032x128xf32, #tpu.memory_space<vmem_shared>> -> memref<16x128xf32, #tpu.memory_space<vmem_shared>>
        %dma_start3A_179 = arith.constant 0 : i32
        %dma_start3A_180 = arith.constant 0 : i32
        %dma_start3A_181 = tpu.memref_slice %arg9[%run_scoped3A_169, %dma_start3A_179, %dma_start3A_180] : memref<2x128x128xf32, #tpu.memory_space<vmem>> -> memref<1x16x128xf32, #tpu.memory_space<vmem>>
        %dma_start3A_182 = tpu.memref_squeeze %dma_start3A_181 : memref<1x16x128xf32, #tpu.memory_space<vmem>> -> memref<16x128xf32, #tpu.memory_space<vmem>>
        %dma_start3A_183 = arith.constant 9984 : i32
        %dma_start3A_184 = arith.constant 0 : i32
        %dma_start3A_185 = tpu.memref_slice %arg10[%dma_start3A_183, %dma_start3A_184] : memref<10032x128xf32, #tpu.memory_space<vmem_shared>> -> memref<16x128xf32, #tpu.memory_space<vmem_shared>>
        tpu.enqueue_dma source(%dma_start3A_185 : memref<16x128xf32, #tpu.memory_space<vmem_shared>>) target(%dma_start3A_182 : memref<16x128xf32, #tpu.memory_space<vmem>>) target_semaphore(%run_scoped3A_171 : memref<!tpu.dma_semaphore, #tpu.memory_space<semaphore_mem>>)
        %dma_wait3A_186 = arith.constant 0 : i32
        %dma_wait3A_187 = arith.constant 0 : i32
        %dma_wait3A_188 = tpu.memref_slice %arg9[%run_scoped3A_169, %dma_wait3A_186, %dma_wait3A_187] : memref<2x128x128xf32, #tpu.memory_space<vmem>> -> memref<1x16x128xf32, #tpu.memory_space<vmem>>
        %dma_wait3A_189 = tpu.memref_squeeze %dma_wait3A_188 : memref<1x16x128xf32, #tpu.memory_space<vmem>> -> memref<16x128xf32, #tpu.memory_space<vmem>>
        %dma_wait3A_190 = arith.constant 9984 : i32
        %dma_wait3A_191 = arith.constant 0 : i32
        %dma_wait3A_192 = tpu.memref_slice %arg10[%dma_wait3A_190, %dma_wait3A_191] : memref<10032x128xf32, #tpu.memory_space<vmem_shared>> -> memref<16x128xf32, #tpu.memory_space<vmem_shared>>
        %dma_wait3A_193 = arith.constant 0 : i32
        %dma_wait3A_194 = arith.constant 0 : i32
        %dma_wait3A_195 = tpu.memref_slice %arg9[%run_scoped3A_169, %dma_wait3A_193, %dma_wait3A_194] : memref<2x128x128xf32, #tpu.memory_space<vmem>> -> memref<1x16x128xf32, #tpu.memory_space<vmem>>
        %dma_wait3A_196 = tpu.memref_squeeze %dma_wait3A_195 : memref<1x16x128xf32, #tpu.memory_space<vmem>> -> memref<16x128xf32, #tpu.memory_space<vmem>>
        %dma_wait3A_197 = arith.constant 9984 : i32
        %dma_wait3A_198 = arith.constant 0 : i32
        %dma_wait3A_199 = tpu.memref_slice %arg10[%dma_wait3A_197, %dma_wait3A_198] : memref<10032x128xf32, #tpu.memory_space<vmem_shared>> -> memref<16x128xf32, #tpu.memory_space<vmem_shared>>
        tpu.wait_dma2 semaphore(%run_scoped3A_171 : memref<!tpu.dma_semaphore, #tpu.memory_space<semaphore_mem>>) src(%dma_wait3A_199 : memref<16x128xf32, #tpu.memory_space<vmem_shared>>) dst(%dma_wait3A_196 : memref<16x128xf32, #tpu.memory_space<vmem>>)
        tpu.yield
      }) : () -> ()
      %run_scoped3A_170 = arith.constant 0 : i32
      "tpu.region"() ({
        %run_scoped3A_171 = tpu.sem_alloc : memref<!tpu.dma_semaphore, #tpu.memory_space<semaphore_mem>>
        %dma_start3A_172 = arith.constant 0 : i32
        %dma_start3A_173 = arith.constant 0 : i32
        %dma_start3A_174 = tpu.memref_slice %arg9[%run_scoped3A_170, %dma_start3A_172, %dma_start3A_173] : memref<2x128x128xf32, #tpu.memory_space<vmem>> -> memref<1x16x128xf32, #tpu.memory_space<vmem>>
        %dma_start3A_175 = tpu.memref_squeeze %dma_start3A_174 : memref<1x16x128xf32, #tpu.memory_space<vmem>> -> memref<16x128xf32, #tpu.memory_space<vmem>>
        %dma_start3A_176 = arith.constant 9984 : i32
        %dma_start3A_177 = arith.constant 0 : i32
        %dma_start3A_178 = tpu.memref_slice %arg6[%arg0, %dma_start3A_176, %dma_start3A_177] : memref<2x10000x128xf32, #tpu.memory_space<hbm>> -> memref<1x16x128xf32, #tpu.memory_space<hbm>>
        %dma_start3A_179 = tpu.memref_squeeze %dma_start3A_178 : memref<1x16x128xf32, #tpu.memory_space<hbm>> -> memref<16x128xf32, #tpu.memory_space<hbm>>
        %dma_start3A_180 = arith.constant 9984 : i32
        %dma_start3A_181 = arith.constant 0 : i32
        %dma_start3A_182 = tpu.memref_slice %arg6[%arg0, %dma_start3A_180, %dma_start3A_181] : memref<2x10000x128xf32, #tpu.memory_space<hbm>> -> memref<1x16x128xf32, #tpu.memory_space<hbm>>
        %dma_start3A_183 = tpu.memref_squeeze %dma_start3A_182 : memref<1x16x128xf32, #tpu.memory_space<hbm>> -> memref<16x128xf32, #tpu.memory_space<hbm>>
        %dma_start3A_184 = arith.constant 0 : i32
        %dma_start3A_185 = arith.constant 0 : i32
        %dma_start3A_186 = tpu.memref_slice %arg9[%run_scoped3A_170, %dma_start3A_184, %dma_start3A_185] : memref<2x128x128xf32, #tpu.memory_space<vmem>> -> memref<1x16x128xf32, #tpu.memory_space<vmem>>
        %dma_start3A_187 = tpu.memref_squeeze %dma_start3A_186 : memref<1x16x128xf32, #tpu.memory_space<vmem>> -> memref<16x128xf32, #tpu.memory_space<vmem>>
        tpu.enqueue_dma source(%dma_start3A_187 : memref<16x128xf32, #tpu.memory_space<vmem>>) target(%dma_start3A_183 : memref<16x128xf32, #tpu.memory_space<hbm>>) target_semaphore(%run_scoped3A_171 : memref<!tpu.dma_semaphore, #tpu.memory_space<semaphore_mem>>)
        %dma_wait3A_188 = arith.constant 0 : i32
        %dma_wait3A_189 = arith.constant 0 : i32
        %dma_wait3A_190 = tpu.memref_slice %arg9[%run_scoped3A_170, %dma_wait3A_188, %dma_wait3A_189] : memref<2x128x128xf32, #tpu.memory_space<vmem>> -> memref<1x16x128xf32, #tpu.memory_space<vmem>>
        %dma_wait3A_191 = tpu.memref_squeeze %dma_wait3A_190 : memref<1x16x128xf32, #tpu.memory_space<vmem>> -> memref<16x128xf32, #tpu.memory_space<vmem>>
        %dma_wait3A_192 = arith.constant 9984 : i32
        %dma_wait3A_193 = arith.constant 0 : i32
        %dma_wait3A_194 = tpu.memref_slice %arg6[%arg0, %dma_wait3A_192, %dma_wait3A_193] : memref<2x10000x128xf32, #tpu.memory_space<hbm>> -> memref<1x16x128xf32, #tpu.memory_space<hbm>>
        %dma_wait3A_195 = tpu.memref_squeeze %dma_wait3A_194 : memref<1x16x128xf32, #tpu.memory_space<hbm>> -> memref<16x128xf32, #tpu.memory_space<hbm>>
        %dma_wait3A_196 = arith.constant 9984 : i32
        %dma_wait3A_197 = arith.constant 0 : i32
        %dma_wait3A_198 = tpu.memref_slice %arg6[%arg0, %dma_wait3A_196, %dma_wait3A_197] : memref<2x10000x128xf32, #tpu.memory_space<hbm>> -> memref<1x16x128xf32, #tpu.memory_space<hbm>>
        %dma_wait3A_199 = tpu.memref_squeeze %dma_wait3A_198 : memref<1x16x128xf32, #tpu.memory_space<hbm>> -> memref<16x128xf32, #tpu.memory_space<hbm>>
        %dma_wait3A_200 = arith.constant 0 : i32
        %dma_wait3A_201 = arith.constant 0 : i32
        %dma_wait3A_202 = tpu.memref_slice %arg9[%run_scoped3A_170, %dma_wait3A_200, %dma_wait3A_201] : memref<2x128x128xf32, #tpu.memory_space<vmem>> -> memref<1x16x128xf32, #tpu.memory_space<vmem>>
        %dma_wait3A_203 = tpu.memref_squeeze %dma_wait3A_202 : memref<1x16x128xf32, #tpu.memory_space<vmem>> -> memref<16x128xf32, #tpu.memory_space<vmem>>
        tpu.wait_dma2 semaphore(%run_scoped3A_171 : memref<!tpu.dma_semaphore, #tpu.memory_space<semaphore_mem>>) src(%dma_wait3A_203 : memref<16x128xf32, #tpu.memory_space<vmem>>) dst(%dma_wait3A_199 : memref<16x128xf32, #tpu.memory_space<hbm>>)
        tpu.yield
      }) : () -> ()
    } else {
    }
    return
  }
}

module attributes {stable_mosaic.version = 14 : i64} {
  func.func @body(%arg0: i32, %arg1: memref<1000x128xf32, #tpu.memory_space<vmem>>, %arg2: memref<128x128xf32, #tpu.memory_space<vmem>>, %arg3: memref<1000x2xf32, #tpu.memory_space<vmem>>, %arg4: memref<1000x128xf32, #tpu.memory_space<vmem>>) attributes {dimension_semantics = [#tpu.dimension_semantics<arbitrary>], iteration_bounds = array<i64: 10>, scalar_prefetch = 0 : i64, scratch_operands = 0 : i64, tpu.core_type = #tpu.core_type<tc>, window_params = [{transform_indices = @transform_0, window_bounds = array<i64: 1000, 128>}, {pipeline_mode = #tpu.pipeline_mode<synchronous>, transform_indices = @transform_1, window_bounds = array<i64: 128, 128>}, {transform_indices = @transform_2, window_bounds = array<i64: 1000, 2>}, {transform_indices = @transform_3, window_bounds = array<i64: 1000, 128>}]} {
    %get3A = arith.constant 0 : index
    %get3A_0 = arith.constant 0 : index
    %get3A_1 = vector.load %arg3[%get3A, %get3A_0] : memref<1000x2xf32, #tpu.memory_space<vmem>>, vector<1000x1xf32>
    %get3A_2 = arith.constant 0 : index
    %get3A_3 = arith.constant 1 : index
    %get3A_4 = vector.load %arg3[%get3A_2, %get3A_3] : memref<1000x2xf32, #tpu.memory_space<vmem>>, vector<1000x1xf32>
    %add3A = arith.addf %get3A_1, %get3A_4 : vector<1000x1xf32>
    %gt3A = arith.constant 0.000000e+00 : f32
    %gt3A_5 = vector.broadcast %gt3A : f32 to vector<1000x1xf32>
    %gt3A_6 = arith.cmpf ogt, %add3A, %gt3A_5 : vector<1000x1xf32>
    %gt3A_7 = arith.constant 0.000000e+00 : f32
    %gt3A_8 = vector.broadcast %gt3A_7 : f32 to vector<1000x1xf32>
    %gt3A_9 = arith.cmpf ogt, %add3A, %gt3A_8 : vector<1000x1xf32>
    %jit3A = arith.constant 1.000000e+00 : f32
    %broadcast_in_dim3A = vector.broadcast %jit3A : f32 to vector<1000x1xf32>
    %select_n3A = arith.select %gt3A_9, %add3A, %broadcast_in_dim3A : vector<1000x1xi1>, vector<1000x1xf32>
    %rsqrt3A = math.rsqrt %select_n3A : vector<1000x1xf32>
    %jit3A_10 = arith.constant 0.000000e+00 : f32
    %broadcast_in_dim3A_11 = vector.broadcast %jit3A_10 : f32 to vector<1000x1xf32>
    %select_n3A_12 = arith.select %gt3A_6, %rsqrt3A, %broadcast_in_dim3A_11 : vector<1000x1xi1>, vector<1000x1xf32>
    %get3A_13 = arith.constant 0 : index
    %get3A_14 = arith.constant 0 : index
    %get3A_15 = vector.load %arg1[%get3A_13, %get3A_14] : memref<1000x128xf32, #tpu.memory_space<vmem>>, vector<1000x128xf32>
    %mul3A = vector.broadcast %select_n3A_12 : vector<1000x1xf32> to vector<1000x128xf32>
    %mul3A_16 = arith.mulf %get3A_15, %mul3A : vector<1000x128xf32>
    %get3A_17 = arith.constant 0 : index
    %get3A_18 = arith.constant 0 : index
    %get3A_19 = vector.load %arg2[%get3A_17, %get3A_18] : memref<128x128xf32, #tpu.memory_space<vmem>>, vector<128x128xf32>
    %dot_general3A = arith.constant dense<0.000000e+00> : vector<1000x128xf32>
    %dot_general3A_20 = tpu.matmul %mul3A_16, %get3A_19, %dot_general3A {dimension_numbers = #tpu.dot_dimension_numbers<[1], [0], [0], [1], [0, 0, 1, 1], [], []>, transpose_lhs_hint = false} : vector<1000x128xf32>, vector<128x128xf32>, vector<1000x128xf32> -> vector<1000x128xf32>
    %swap3A = arith.constant 0 : index
    %swap3A_21 = arith.constant 0 : index
    %swap3A_22 = vector.load %arg4[%swap3A, %swap3A_21] : memref<1000x128xf32, #tpu.memory_space<vmem>>, vector<1000x128xf32>
    tpu.vector_store %arg4[%swap3A, %swap3A_21], %dot_general3A_20 {strides = array<i32>} : memref<1000x128xf32, #tpu.memory_space<vmem>>, vector<1000x128xf32>,
    return
  }
  func.func @transform_0(%arg0: i32) -> (i32, i32) {
    %c0_i32 = arith.constant 0 : i32
    %c0_i32_0 = arith.constant 0 : i32
    return %arg0, %c0_i32 : i32, i32
  }
  func.func @transform_1(%arg0: i32) -> (i32, i32) {
    %c0_i32 = arith.constant 0 : i32
    %c0_i32_0 = arith.constant 0 : i32
    %c0_i32_1 = arith.constant 0 : i32
    return %c0_i32, %c0_i32_0 : i32, i32
  }
  func.func @transform_2(%arg0: i32) -> (i32, i32) {
    %c0_i32 = arith.constant 0 : i32
    %c0_i32_0 = arith.constant 0 : i32
    return %arg0, %c0_i32 : i32, i32
  }
  func.func @transform_3(%arg0: i32) -> (i32, i32) {
    %c0_i32 = arith.constant 0 : i32
    %c0_i32_0 = arith.constant 0 : i32
    return %arg0, %c0_i32 : i32, i32
  }
}

module attributes {stable_mosaic.version = 14 : i64} {
  func.func @body(%arg0: i32, %arg1: memref<1000x128xf32, #tpu.memory_space<vmem>>, %arg2: memref<1000x128xf32, #tpu.memory_space<vmem>>, %arg3: memref<1000x2xf32, #tpu.memory_space<vmem>>, %arg4: memref<1x128xf32, #tpu.memory_space<vmem>>, %arg5: memref<1000x128xf32, #tpu.memory_space<vmem>>) attributes {dimension_semantics = [#tpu.dimension_semantics<arbitrary>], iteration_bounds = array<i64: 10>, scalar_prefetch = 0 : i64, scratch_operands = 0 : i64, tpu.core_type = #tpu.core_type<tc>, window_params = [{transform_indices = @transform_0, window_bounds = array<i64: 1000, 128>}, {transform_indices = @transform_1, window_bounds = array<i64: 1000, 128>}, {transform_indices = @transform_2, window_bounds = array<i64: 1000, 2>}, {pipeline_mode = #tpu.pipeline_mode<synchronous>, transform_indices = @transform_3, window_bounds = array<i64: 1, 128>}, {transform_indices = @transform_4, window_bounds = array<i64: 1000, 128>}]} {
    %get3A = arith.constant 0 : index
    %get3A_0 = arith.constant 0 : index
    %get3A_1 = vector.load %arg3[%get3A, %get3A_0] : memref<1000x2xf32, #tpu.memory_space<vmem>>, vector<1000x1xf32>
    %get3A_2 = arith.constant 0 : index
    %get3A_3 = arith.constant 1 : index
    %get3A_4 = vector.load %arg3[%get3A_2, %get3A_3] : memref<1000x2xf32, #tpu.memory_space<vmem>>, vector<1000x1xf32>
    %add3A = arith.addf %get3A_1, %get3A_4 : vector<1000x1xf32>
    %gt3A = arith.constant 0.000000e+00 : f32
    %gt3A_5 = vector.broadcast %gt3A : f32 to vector<1000x1xf32>
    %gt3A_6 = arith.cmpf ogt, %add3A, %gt3A_5 : vector<1000x1xf32>
    %gt3A_7 = arith.constant 0.000000e+00 : f32
    %gt3A_8 = vector.broadcast %gt3A_7 : f32 to vector<1000x1xf32>
    %gt3A_9 = arith.cmpf ogt, %add3A, %gt3A_8 : vector<1000x1xf32>
    %jit3A = arith.constant 1.000000e+00 : f32
    %broadcast_in_dim3A = vector.broadcast %jit3A : f32 to vector<1000x1xf32>
    %select_n3A = arith.select %gt3A_9, %add3A, %broadcast_in_dim3A : vector<1000x1xi1>, vector<1000x1xf32>
    %rsqrt3A = math.rsqrt %select_n3A : vector<1000x1xf32>
    %jit3A_10 = arith.constant 0.000000e+00 : f32
    %broadcast_in_dim3A_11 = vector.broadcast %jit3A_10 : f32 to vector<1000x1xf32>
    %select_n3A_12 = arith.select %gt3A_6, %rsqrt3A, %broadcast_in_dim3A_11 : vector<1000x1xi1>, vector<1000x1xf32>
    %get3A_13 = arith.constant 0 : index
    %get3A_14 = arith.constant 0 : index
    %get3A_15 = vector.load %arg1[%get3A_13, %get3A_14] : memref<1000x128xf32, #tpu.memory_space<vmem>>, vector<1000x128xf32>
    %get3A_16 = arith.constant 0 : index
    %get3A_17 = arith.constant 0 : index
    %get3A_18 = vector.load %arg2[%get3A_16, %get3A_17] : memref<1000x128xf32, #tpu.memory_space<vmem>>, vector<1000x128xf32>
    %add3A_19 = arith.addf %get3A_15, %get3A_18 : vector<1000x128xf32>
    %mul3A = vector.broadcast %select_n3A_12 : vector<1000x1xf32> to vector<1000x128xf32>
    %mul3A_20 = arith.mulf %add3A_19, %mul3A : vector<1000x128xf32>
    %get3A_21 = arith.constant 0 : index
    %get3A_22 = arith.constant 0 : index
    %get3A_23 = vector.load %arg4[%get3A_21, %get3A_22] : memref<1x128xf32, #tpu.memory_space<vmem>>, vector<1x128xf32>
    %add3A_24 = vector.broadcast %get3A_23 : vector<1x128xf32> to vector<1000x128xf32>
    %add3A_25 = arith.addf %mul3A_20, %add3A_24 : vector<1000x128xf32>
    %swap3A = arith.constant 0 : index
    %swap3A_26 = arith.constant 0 : index
    %swap3A_27 = vector.load %arg5[%swap3A, %swap3A_26] : memref<1000x128xf32, #tpu.memory_space<vmem>>, vector<1000x128xf32>
    tpu.vector_store %arg5[%swap3A, %swap3A_26], %add3A_25 {strides = array<i32>} : memref<1000x128xf32, #tpu.memory_space<vmem>>, vector<1000x128xf32>,
    return
  }
  func.func @transform_0(%arg0: i32) -> (i32, i32) {
    %c0_i32 = arith.constant 0 : i32
    %c0_i32_0 = arith.constant 0 : i32
    return %arg0, %c0_i32 : i32, i32
  }
  func.func @transform_1(%arg0: i32) -> (i32, i32) {
    %c0_i32 = arith.constant 0 : i32
    %c0_i32_0 = arith.constant 0 : i32
    return %arg0, %c0_i32 : i32, i32
  }
  func.func @transform_2(%arg0: i32) -> (i32, i32) {
    %c0_i32 = arith.constant 0 : i32
    %c0_i32_0 = arith.constant 0 : i32
    return %arg0, %c0_i32 : i32, i32
  }
  func.func @transform_3(%arg0: i32) -> (i32, i32) {
    %c0_i32 = arith.constant 0 : i32
    %c0_i32_0 = arith.constant 0 : i32
    %c0_i32_1 = arith.constant 0 : i32
    return %c0_i32, %c0_i32_0 : i32, i32
  }
  func.func @transform_4(%arg0: i32) -> (i32, i32) {
    %c0_i32 = arith.constant 0 : i32
    %c0_i32_0 = arith.constant 0 : i32
    return %arg0, %c0_i32 : i32, i32
  }
}

</mosaic_0001>

<sc_bundles>
// kernel: kernel.6.cloned.1.call-start
scs
__scs_entry_jumppad:
0x0: {  	(pc) =	sbr.rel $0x88, $3  }
0x1: {  	(tag) =	ssettag $0x0;
	lr =	simm.s32 $0x1  }
0x2: {  	[smem:$0x3F9D] =	sst lr;
	_ =	strace $0xD0000000  }
0x3: {  	_ = 	snop  }
0x4: {  	_ = 	snop  }
0x5: {  	_ = 	snop  }
0x6: {  	_ = 	snop  }
0x7: {  	_ = 	snop  }
__scs_overlays_trampoline_lowered:
0x8: {  	[smem:$0x3FAC] =	sst s0  }
0x9: {  	[smem:$0x3FAD] =	sst s1  }
0xa: {  	[smem:$0x3FAE] =	sst s2  }
0xb: {  	[smem:$0x3FAF] =	sst s3  }
0xc: {  	[smem:$0x3FB0] =	sst s4  }
0xd: {  	[smem:$0x3FB1] =	sst s5  }
0xe: {  	[smem:$0x3FB2] =	sst s6  }
0xf: {  	[smem:$0x3FB3] =	sst s7  }
0x10: {  	[smem:$0x3FB4] =	sst s8  }
0x11: {  	[smem:$0x3FB5] =	sst s9;
	s0 =	simm.s32 @!p0 $0x0  }
0x12: {  	s1 =	sld [smem:$0x3F9B];
	s0 =	simm.s32 @p0 $0x1  }
0x13: {  	[smem:$0x3FB6] =	sst s0;
	s0 =	simm.s32 @!p1 $0x0  }
0x14: {  	s2 =	sld [smem:$0x3F9A];
	s0 =	simm.s32 @p1 $0x1  }
0x15: {  	[smem:$0x3FB7] =	sst s0;
	s0 =	simm.s32 @!p2 $0x0  }
0x16: {  	s3 =	sld [smem:$0x3FDB];
	s0 =	simm.s32 @p2 $0x1  }
0x17: {  	s4 =	simm.s32 $0x1BF5;
	[smem:$0x3FB9] =	sst s0  }
0x18: {  	s0 =	sld [smem:$0x3F9C];
	_ =	swait.ge [sflag:s4], $0x0  }
0x19: {  	s7 =	sld [smem:$0x3F9D]  }
0x1a: {  	s8 =	sadd.s32 $0xFFFFE003, lr  }
0x1b: {  	s9 =	sadd.s32 $0xFFFFFEF7, lr;
	s5 =	simm.s32 $0xFFFFFFFF;
	p2 =	slt.u32 s8, $0xFFFFF086  }
0x1c: {  	p1 =	slt.u32 s9, $0xF7A;
	s5 =	simm.s32 @!p2 $0x0  }
0x1d: {  	s5 =	simm.s32 @p1 $0x1;
	p0 =	seq.s32 s7, s2  }
0x1e: {  	s7 =	smul.u32 @!p0 $0xF7A, s2;
	p2 =	seq.s32 @!p0 s5, $0x0  }
0x1f: {  	s9 =	smul.u32 $0xF7A, s1;
	s8 =	simm.s32 @!p0 $0x1BF5;
	p2 =	por !p2, p0  }
0x20: {  	[sflag:s8] =	ssyncset.s32 @!p0 $0xFFFFF086;
	s6 =	sadd.s32 @!p0 s3, s7;
	s7 =	simm.s32 @!p0 $0x108  }
0x21: {  	s3 =	sadd.s32 s3, s9;
	s6 =	sadd.s32 @!p0 $0x88, s6;
	s7 =	simm.s32 @p2 $0x1082  }
0x22: {  	[simem:s7], [sflag:s8] =	dma.local @!p0 [hbm:s6], $0xF7A  }
0x23: {  	s9 =	sor.u32 $0xD0000000, s2;
	s6 =	simm.s32 $0x108;
	_ =	swait.ge @!p0 [sflag:s8], $0x0  }
0x24: {  	s3 =	sadd.s32 $0x88, s3;
	s6 =	simm.s32 @!p1 $0x1082;
	[sflag:s4] =	ssyncset.s32 $0xFFFFF086  }
0x25: {  	[simem:s6], [sflag:s4] =	dma.local [hbm:s3], $0xF7A  }
0x26: {  	[smem:$0x3F9D] =	sst s1;
	(tag) =	ssettag s2;
	_ =	strace s9  }
0x27: {  	s1 =	sld [smem:$0x3FAD]  }
0x28: {  	s2 =	sld [smem:$0x3FAE]  }
0x29: {  	s4 =	sld [smem:$0x3FB0]  }
0x2a: {  	p0 =	seq.s32 s5, $0x0;
	s5 =	sld [smem:$0x3FB1]  }
0x2b: {  	s6 =	sld [smem:$0x3FB2]  }
0x2c: {  	s7 =	sld [smem:$0x3FB3]  }
0x2d: {  	s3 =	simm.s32 $0x108;
	s8 =	sld [smem:$0x3FB4]  }
0x2e: {  	s3 =	simm.s32 @!p0 $0x1082;
	s9 =	sld [smem:$0x3FB5]  }
0x2f: {  	lr =	sadd.s32 s0, s3;
	s0 =	sld [smem:$0x3FAC]  }
0x30: {  	s3 =	sld [smem:$0x3FAF]  }
0x31: {  	[smem:$0x3FB8] =	sst s10  }
0x32: {  	s10 =	sld [smem:$0x3FB6];
	_ =	sdelay $0x3  }
0x33: {  	p0 =	seq.s32 s10, $0x1;
	s10 =	sld [smem:$0x3FB8];
	_ =	sdelay $0x3  }
0x34: {  	[smem:$0x3FB8] =	sst s10  }
0x35: {  	s10 =	sld [smem:$0x3FB7];
	_ =	sdelay $0x3  }
0x36: {  	p1 =	seq.s32 s10, $0x1;
	s10 =	sld [smem:$0x3FB8];
	_ =	sdelay $0x3  }
0x37: {  	[smem:$0x3FB8] =	sst s10  }
0x38: {  	s10 =	sld [smem:$0x3FB9]  }
0x39: {  	_ = 	snop;
	(pc) =	sbr.ind lr, $3  }
0x3a: {  	_ = 	snop  }
0x3b: {  	_ = 	snop  }
0x3c: {  	p2 =	seq.s32 s10, $0x1;
	s10 =	sld [smem:$0x3FB8]  }
0x3d: {  	_ =	shalt  }
0x3e: {  	_ =	shalt  }
0x3f: {  	_ =	shalt  }
0x40: {  	_ =	shalt  }
0x41: {  	_ =	shalt  }
0x42: {  	_ =	shalt  }
0x43: {  	_ =	shalt  }
0x44: {  	_ =	shalt  }
0x45: {  	_ =	shalt  }
0x46: {  	_ =	shalt  }
0x47: {  	_ =	shalt  }
0x48: {  	_ =	shalt  }
0x49: {  	_ =	shalt  }
0x4a: {  	_ =	shalt  }
0x4b: {  	_ =	shalt  }
0x4c: {  	_ =	shalt  }
0x4d: {  	_ =	shalt  }
0x4e: {  	_ =	shalt  }
0x4f: {  	_ =	shalt  }
0x50: {  	_ =	shalt  }
0x51: {  	_ =	shalt  }
0x52: {  	_ =	shalt  }
0x53: {  	_ =	shalt  }
0x54: {  	_ =	shalt  }
0x55: {  	_ =	shalt  }
0x56: {  	_ =	shalt  }
0x57: {  	_ =	shalt  }
0x58: {  	_ =	shalt  }
0x59: {  	_ =	shalt  }
0x5a: {  	_ =	shalt  }
0x5b: {  	_ =	shalt  }
0x5c: {  	_ =	shalt  }
0x5d: {  	_ =	shalt  }
0x5e: {  	_ =	shalt  }
0x5f: {  	_ =	shalt  }
0x60: {  	_ =	shalt  }
0x61: {  	_ =	shalt  }
0x62: {  	_ =	shalt  }
0x63: {  	_ =	shalt  }
0x64: {  	_ =	shalt  }
0x65: {  	_ =	shalt  }
0x66: {  	_ =	shalt  }
0x67: {  	_ =	shalt  }
0x68: {  	_ =	shalt  }
0x69: {  	_ =	shalt  }
0x6a: {  	_ =	shalt  }
0x6b: {  	_ =	shalt  }
0x6c: {  	_ =	shalt  }
0x6d: {  	_ =	shalt  }
0x6e: {  	_ =	shalt  }
0x6f: {  	_ =	shalt  }
0x70: {  	_ =	shalt  }
0x71: {  	_ =	shalt  }
0x72: {  	_ =	shalt  }
0x73: {  	_ =	shalt  }
0x74: {  	_ =	shalt  }
0x75: {  	_ =	shalt  }
0x76: {  	_ =	shalt  }
0x77: {  	_ =	shalt  }
0x78: {  	_ =	shalt  }
0x79: {  	_ =	shalt  }
0x7a: {  	_ =	shalt  }
0x7b: {  	_ =	shalt  }
0x7c: {  	_ =	shalt  }
0x7d: {  	_ =	shalt  }
0x7e: {  	_ =	shalt  }
0x7f: {  	_ =	shalt  }
0x80: {  	_ =	shalt  }
0x81: {  	_ =	shalt  }
0x82: {  	_ =	shalt  }
0x83: {  	_ =	shalt  }
0x84: {  	_ =	shalt  }
0x85: {  	_ =	shalt  }
0x86: {  	_ =	shalt  }
0x87: {  	_ =	shalt  }
.Lfunc_end0:
.L_simem_size_0:
called_computation_lowered:
.L_overlay_start_0:
0x88: {  	s2 =	sld [smem:$0x3FD9]  }
0x89: {  	s3 =	sld [smem:$0x3FFE];
	_ =	sdelay $0x1  }
0x8a: {  	s1 =	srdreg.scid  }
0x8b: {  	s0 =	sand.u32 $0x1, s1  }
0x8c: {  	s17 =	sshll.u32 s0, $0xA;
	s2 =	sadd.s32 s3, s2  }
0x8d: {  	s2 =	sadd.s32 s2, s17  }
0x8e: {  	[smem:$0x3FC4] =	sst s2  }
0x8f: {  	_ = 	snop  }
0x90: {  	s2 =	sld [smem:$0x3FD0];
	(tm) =	ssettm $0x1  }
0x91: {  	s18 =	sld [smem:$0x3FFB];
	_ =	sdelay $0x3  }
0x92: {  	_ =	strace s18  }
0x93: {  	s3 =	sld [smem:$0x3FFC];
	_ =	sdelay $0x3  }
0x94: {  	_ =	strace s3  }
0x95: {  	s3 =	sld [smem:$0x3FFD];
	_ =	sdelay $0x3  }
0x96: {  	_ =	strace s3  }
0x97: {  	_ =	strace $0x8FFFFFFF  }
0x98: {  	s19 =	sld [smem:$0x3FDB];
	_ =	sdelay $0x1  }
0x99: {  	s4 =	simm.s32 $_scs_section_size  }
0x9a: {  	s5 =	simm.s32 $_size__tile_overlayer_lowered;
	s6 =	simm.s32 $_tile_overlayer_lowered  }
0x9b: {  	s22 =	simm.s32 $0x1BFF;
	s21 =	sshll.u32 s6, $0x1;
	s3 =	sadd.s32 s4, s19  }
0x9c: {  	s7 =	simm.s32 $0x0;
	s20 =	sshll.u32 s5, $0x1;
	s5 =	sadd.s32 s21, s3  }
0x9d: {  	[timem:s7], [sflag:s22] =	dma.local [hbm:s5], s20  }
0x9e: {  	_ =	swait.ge [sflag:s22], s20  }
0x9f: {  	s4 =	ssub.s32 $0x0, s20;
	[sflag:s22] =	ssyncset.done $0x0  }
0xa0: {  	[sflag:s22] =	ssyncadd.s32 s4;
	_ =	sdelay $0x1  }
0xa1: {  	s23 =	simm.s32 $0x1B8B  }
0xa2: {  	_ =	swait.ge [sflag:s23], $0x1  }
0xa3: {  	[sflag:s23] =	ssyncset.done $0x0  }
0xa4: {  	s25 =	simm.s32 $0x1B8E;
	s24 =	sld [smem:$0x3FFE];
	[sflag:s23] =	ssyncadd.s32 $0xFFFFFFFF  }
0xa5: {  	s26 =	simm.s32 $execute0_lowered;
	[smem:$0x3FD2] =	sst s25  }
0xa6: {  	s5 =	sshll.u32 s26, $0x1;
	_ =	strace $0x80000046;
	[dreg:$0x1] =	wrdreg $0xFFFFFFFF  }
0xa7: {  	s28 =	simm.s32 $_size_execute0_lowered;
	s3 =	sadd.s32 s3, s5;
	[dreg:$0x0] =	wrdreg $0x0  }
0xa8: {  	s5 =	sshll.u32 s28, $0x1;
	[dreg:$0x2] =	wrdreg s3  }
0xa9: {  	[dreg:$0x3] =	wrdreg s5  }
0xaa: {  	[dreg:$0x4] =	wrdreg $0xC0  }
0xab: {  	_ =	task [dreg:s7], $0x5FFFF  }
0xac: {  	[dreg:$0x1] =	wrdreg $0xFFFFFFFF  }
0xad: {  	[dreg:$0x0] =	wrdreg $0x60  }
0xae: {  	[dreg:$0x2] =	wrdreg s24  }
0xaf: {  	[dreg:$0x3] =	wrdreg s2  }
0xb0: {  	[dreg:$0x4] =	wrdreg $0x2B000  }
0xb1: {  	[dreg:$0x5] =	wrdreg $0x9  }
0xb2: {  	_ =	task.clear_ibuf [dreg:s7], $0x6FFFF;
	_ =	strace $0x90000046  }
0xb3: {  	s29 =	simm.s32 $0x9;
	_ =	strace $0x80000048  }
0xb4: {  	_ =	swait.ge [sflag:s29], $0x1  }
0xb5: {  	[sflag:s29] =	ssyncadd.s32 $0xFFFFFFFF  }
0xb6: {  	_ =	strace $0x90000048  }
0xb7: {  	_ =	sfence  }
0xb8: {  	s30 =	sld [smem:$0x0];
	_ =	sdelay $0x2  }
0xb9: {  	s31 =	sshll.u32 s1, $0xD;
	s1 =	sshrl.u32 s1, $0x2  }
0xba: {  	s3 =	sand.u32 $0x4000, s31;
	s1 =	sadd.s32 s1, s30  }
0xbb: {  	s0 =	sor.u32 s3, s0;
	s1 =	sshll.u32 s1, $0x11  }
0xbc: {  	s0 =	sor.u32 s1, s0  }
0xbd: {  	s0 =	sadd.s32 $0x8F2B, s0  }
0xbe: {  	[sflag:s0] =	ssyncadd.remote.s32 $0x1  }
0xbf: {  	_ =	sfence.sel $0xFFFF  }
0xc0: {  	[dreg:$0x0] =	wrdreg $0xFFFFFFFF;
	(pc) =	sbr.abs _section_cstart, $3  }
0xc1: {  	[dreg:$0x1] =	wrdreg $0xFFFFFFFF  }
0xc2: {  	_ =	task.clear_ibuf [dreg:s7], $0x2FFFF;
	_ =	strace $0x9FFFFFFF  }
0xc3: {  	(tm) =	ssettm $0x7FFFFFFF  }
tec
execute0_lowered:
.L_overlay_start_1:
0x0: {  	(tag) =	ssettag $0x1  }
0x1: {  	s5 =	rddreg [dreg:$0x0]  }
0x2: {  	s0 =	srdreg.scid;
	s10 =	rddreg [dreg:$0x1]  }
0x3: {  	s2 =	rddreg [dreg:$0x2];
	s1 =	stileid.u32  }
0x4: {  	s3 =	simm.s32 $0x0;
	s14 =	simm.s32 $0x2800;
	s15 =	simm.s32 $0x80  }
0x5: {  	s16 =	simm.s32 $0x100;
	s17 =	simm.s32 $0x180;
	s18 =	simm.s32 $0x200  }
0x6: {  	s19 =	simm.s32 $0x280;
	s20 =	simm.s32 $0x300;
	s21 =	simm.s32 $0x380  }
0x7: {  	s22 =	simm.s32 $0x1;
	s4 =	sand.u32 $0x1, s0;
	s0 =	rddreg [dreg:$0x3]  }
0x8: {  	s23 =	simm.s32 $0x0;
	[smem:$0x7FF] =	sst s3;
	s7 =	smul.u32 $0x270, s1  }
0x9: {  	p0 =	sne.s32 s1, $0xF;
	s6 =	sshll.u32 s4, $0x4;
	_ =	strace $0x80000047  }
0xa: {  	s31 =	ssub.s32 $0x2, s4;
	s9 =	smul.u32 $0x2710, s4;
	s6 =	sor.u32 s1, s6  }
0xb: {  	s4 =	sadd.s32 $0x15000, s5;
	s11 =	sshrl.u32 s31, $0x1;
	s6 =	smul.u32 $0x500, s6  }
0xc: {  	s11 =	ssub.s32 s31, s11;
	s12 =	sadd.s32 s7, s9;
	s13 =	sshrl.u32 s9, $0x3  }
0xd: {  	s12 =	sshrl.u32 s12, $0x3;
	s11 =	smax.u32 s11, $0x1;
	s8 =	sadd.s32 s6, s5  }
0xe: {  	s5 =	sadd.s32 $0x15200, s5;
	s6 =	sadd.s32 s7, s2;
	s7 =	sadd.s32 $0x2700, s2  }
0xf: {  	s9 =	sadd.s32 s10, s12;
	s10 =	sadd.s32 s10, s13;
	s12 =	simm.s32 $0x2880  }
0x10: {  	s13 =	simm.s32 $0x2;
	s8 =	sadd.s32 $0xB000, s8;
	s10 =	sadd.s32 $0x4E0, s10  }
.LBB2_1:
0x11: {  	[tilespmem:s12], [sflag:$0x2] =	stream.linear.gather [hbm4b:s5+s3], $0x280, $0x38;
	[tilespmem:$0x2D78] =	vst v63  }
0x12: {  	_ =	swait.ge [sflag:s13], $0x280  }
0x13: {  	[sflag:s13] =	ssyncset.done $0x0  }
0x14: {  	[sflag:s13] =	ssyncadd.s32 $0xFFFFFD80  }
0x15: {  	[spmem:s6] =	stream.linear.scatter [tilespmem:s12], [sflag:$0x2], $0x270, $0x38;
	[tilespmem:$0x2D78] =	vst v63  }
0x16: {  	_ =	swait.ge [sflag:s13], $0x270  }
0x17: {  	[sflag:s13] =	ssyncset.done $0x0  }
0x18: {  	s24 =	simm.s32 @!p0 $0x2880;
	[sflag:s13] =	ssyncadd.s32 $0xFFFFFD90  }
0x19: {  	[spmem:s7] =	stream.linear.scatter @!p0 [tilespmem:s24], [sflag:$0x2], $0x30, $0x38;
	[tilespmem:$0x2D78] =	vst v63  }
0x1a: {  	s24 =	simm.s32 @!p0 $0x2  }
0x1b: {  	_ =	swait.ge @!p0 [sflag:s24], $0x30  }
0x1c: {  	[sflag:s24] =	ssyncset.done @!p0 $0x0  }
0x1d: {  	[sflag:s24] =	ssyncadd.s32 @!p0 $0xFFFFFFD0  }
0x1e: {  	[tilespmem:s14], [sflag:$0x2] =	stream.linear.gather [hbm4b:s4+s3], $0x80, $0x38;
	[tilespmem:$0x2D78] =	vst v63  }
0x1f: {  	_ =	swait.ge [sflag:s13], $0x80  }
0x20: {  	[sflag:s13] =	ssyncset.done $0x0  }
0x21: {  	[sflag:s13] =	ssyncadd.s32 $0xFFFFFF80  }
0x22: {  	[tilespmem:s3], [sflag:$0x2] =	stream.linear.gather [hbm4b:s8+s3], $0x2780, $0x38;
	[tilespmem:$0x2D78] =	vst v63  }
0x23: {  	_ =	swait.ge [sflag:s13], $0x2780  }
0x24: {  	[sflag:s13] =	ssyncset.done $0x0  }
0x25: {  	[sflag:s13] =	ssyncadd.s32 $0xFFFFD880  }
0x26: {  	[bflag:$0x0] =	sbarrier.arrive $0xFFFF  }
0x27: {  	[spmem:s2] =	stream.indirect.scatter.add.f32 [tilespmem:s14], [sflag:$0x1], $0x1, s3, s15, $0xb8;
	[tilespmem:$0x2D78] =	vst v63  }
0x28: {  	_ = 	snop  }
0x29: {  	[spmem:s2] =	stream.indirect.scatter.add.f32 [tilespmem:s14], [sflag:$0x1], $0x1, s15, s15, $0xb8;
	[tilespmem:$0x2D78] =	vst v63  }
0x2a: {  	_ = 	snop  }
0x2b: {  	[spmem:s2] =	stream.indirect.scatter.add.f32 [tilespmem:s14], [sflag:$0x1], $0x1, s16, s15, $0xb8;
	[tilespmem:$0x2D78] =	vst v63  }
0x2c: {  	_ = 	snop  }
0x2d: {  	[spmem:s2] =	stream.indirect.scatter.add.f32 [tilespmem:s14], [sflag:$0x1], $0x1, s17, s15, $0xb8;
	[tilespmem:$0x2D78] =	vst v63  }
0x2e: {  	_ = 	snop  }
0x2f: {  	[spmem:s2] =	stream.indirect.scatter.add.f32 [tilespmem:s14], [sflag:$0x1], $0x1, s18, s15, $0xb8;
	[tilespmem:$0x2D78] =	vst v63  }
0x30: {  	_ = 	snop  }
0x31: {  	[spmem:s2] =	stream.indirect.scatter.add.f32 [tilespmem:s14], [sflag:$0x1], $0x1, s19, s15, $0xb8;
	[tilespmem:$0x2D78] =	vst v63  }
0x32: {  	_ = 	snop  }
0x33: {  	[spmem:s2] =	stream.indirect.scatter.add.f32 [tilespmem:s14], [sflag:$0x1], $0x1, s20, s15, $0xb8;
	[tilespmem:$0x2D78] =	vst v63  }
0x34: {  	_ = 	snop  }
0x35: {  	[spmem:s2] =	stream.indirect.scatter.add.f32 [tilespmem:s14], [sflag:$0x1], $0x1, s21, s15, $0xb8;
	[tilespmem:$0x2D78] =	vst v63  }
0x36: {  	_ =	swait.ge [sflag:s22], $0x80  }
0x37: {  	[sflag:s22] =	ssyncset.done $0x0  }
0x38: {  	s25 =	simm.s32 $0x400;
	s24 =	simm.s32 $0x1200;
	[sflag:s22] =	ssyncadd.s32 $0xFFFFFF80  }
.LBB2_2:
0x39: {  	[spmem:s2] =	stream.indirect.scatter.add.f32 [tilespmem:s14], [sflag:$0x1], $0x1, s25, s15, $0xb8;
	[tilespmem:$0x2D78] =	vst v63  }
0x3a: {  	s25 =	smov.u32 s24;
	p1 =	sne.s32 s24, $0x9C00  }
.Ltmp0:
0x3b: {  	s24 =	sadd.s32 $0x200, s24;
	(pc) =	sbr.rel @p1 .LBB2_2-.Ltmp0, $4  }
0x3c: {  	_ = 	snop  }
0x3d: {  	_ =	swait.ge [sflag:s22], $0x80  }
0x3e: {  	[sflag:s22] =	ssyncset.done $0x0  }
0x3f: {  	s25 =	sshra.s32 s25, $0x2;
	[sflag:s22] =	ssyncadd.s32 $0xFFFFFF80  }
0x40: {  	[spmem:s2] =	stream.indirect.scatter.add.f32 [tilespmem:s14], [sflag:$0x1], $0x1, s25, s15, $0xb8;
	[tilespmem:$0x2D78] =	vst v63  }
0x41: {  	_ =	swait.ge [sflag:s22], $0x80  }
0x42: {  	[sflag:s22] =	ssyncset.done $0x0  }
0x43: {  	[sflag:s22] =	ssyncadd.s32 $0xFFFFFF80  }
0x44: {  	_ =	swait.ge [sflag:s22], $0x80  }
0x45: {  	[sflag:s22] =	ssyncset.done $0x0  }
0x46: {  	[sflag:s22] =	ssyncadd.s32 $0xFFFFFF80  }
0x47: {  	_ =	swait.ge [sflag:s22], $0x80  }
0x48: {  	[sflag:s22] =	ssyncset.done $0x0  }
0x49: {  	[sflag:s22] =	ssyncadd.s32 $0xFFFFFF80  }
0x4a: {  	_ =	swait.ge [sflag:s22], $0x80  }
0x4b: {  	[sflag:s22] =	ssyncset.done $0x0  }
0x4c: {  	[sflag:s22] =	ssyncadd.s32 $0xFFFFFF80  }
0x4d: {  	_ =	swait.ge [sflag:s22], $0x80  }
0x4e: {  	[sflag:s22] =	ssyncset.done $0x0  }
0x4f: {  	[sflag:s22] =	ssyncadd.s32 $0xFFFFFF80  }
0x50: {  	_ =	swait.ge [sflag:s22], $0x80  }
0x51: {  	[sflag:s22] =	ssyncset.done $0x0  }
0x52: {  	[sflag:s22] =	ssyncadd.s32 $0xFFFFFF80  }
0x53: {  	_ =	swait.ge [sflag:s22], $0x80  }
0x54: {  	[sflag:s22] =	ssyncset.done $0x0  }
0x55: {  	[sflag:s22] =	ssyncadd.s32 $0xFFFFFF80  }
0x56: {  	_ =	swait.ge [sflag:s22], $0x80  }
0x57: {  	[sflag:s22] =	ssyncset.done $0x0  }
0x58: {  	[sflag:s22] =	ssyncadd.s32 $0xFFFFFF80  }
0x59: {  	[bflag:$0x0] =	sbarrier.arrive $0xFFFF  }
0x5a: {  	[tilespmem:s12], [sflag:$0x2] =	stream.linear.gather [spmem:s6], $0x270, $0x38;
	[tilespmem:$0x2D78] =	vst v63  }
0x5b: {  	_ =	swait.ge [sflag:s13], $0x270  }
0x5c: {  	[sflag:s13] =	ssyncset.done $0x0  }
0x5d: {  	[sflag:s13] =	ssyncadd.s32 $0xFFFFFD90  }
0x5e: {  	[hbm4b:s9+s3] =	stream.linear.scatter [tilespmem:s12], [sflag:$0x2], $0x270, $0x38;
	[tilespmem:$0x2D78] =	vst v63  }
0x5f: {  	_ =	swait.ge [sflag:s13], $0x270  }
0x60: {  	[sflag:s13] =	ssyncset.done $0x0  }
0x61: {  	s24 =	simm.s32 @!p0 $0x2880;
	s25 =	simm.s32 @!p0 $0x2;
	[sflag:s13] =	ssyncadd.s32 $0xFFFFFD90  }
0x62: {  	[tilespmem:s24], [sflag:$0x2] =	stream.linear.gather @!p0 [spmem:s7], $0x10, $0x38;
	[tilespmem:$0x2D78] =	vst v63  }
0x63: {  	s23 =	sadd.s32 $0x1, s23;
	_ =	swait.ge @!p0 [sflag:s25], $0x10  }
0x64: {  	p1 =	sne.s32 s23, s11;
	[sflag:s25] =	ssyncset.done @!p0 $0x0  }
.Ltmp1:
0x65: {  	s26 =	simm.s32 @!p0 $0x0;
	[sflag:s25] =	ssyncadd.s32 @!p0 $0xFFFFFFF0;
	(pc) =	sbr.rel @p1 .LBB2_1-.Ltmp1, $4  }
0x66: {  	[hbm4b:s10+s26] =	stream.linear.scatter @!p0 [tilespmem:s24], [sflag:$0x2], $0x10, $0x38;
	[tilespmem:$0x2D78] =	vst v63  }
0x67: {  	_ =	swait.ge @!p0 [sflag:s25], $0x10  }
0x68: {  	[sflag:s25] =	ssyncset.done @!p0 $0x0  }
0x69: {  	[sflag:s25] =	ssyncadd.s32 @!p0 $0xFFFFFFF0  }
0x6a: {  	_ =	sfence.sel $0x180000  }
0x6b: {  	[bflag:$0x0] =	sbarrier.arrive $0xFFFF  }
0x6c: {  	p0 =	sne.s32 s1, $0x0;
	_ =	strace $0x90000047  }
0x6d: {  	s0 =	sadd.s32 @!p0 $0x100000, s0;
	[bflag:$0x2] =	sbarrier.arrive $0xFFFF  }
0x6e: {  	[sflag:s0] =	ssyncadd.tile.s32 @!p0 $0x1;
	_ =	shalt  }
.Lfunc_end2:
_tile_overlayer_lowered:
.L_overlay_start_2:
0x6f: {  	(tag) =	ssettag $0x2  }
0x70: {  	s0 =	rddreg [dreg:$0x0];
	s2 =	stileid.u32  }
0x71: {  	s1 =	rddreg [dreg:$0x1];
	p0 =	sne.s32 s2, $0x0  }
0x72: {  	s3 =	rddreg [dreg:$0x2];
	[bflag:$0x3] =	sbarrier.arrive $0xFFFF;
	s2 =	simm.s32 @!p0 $0x1C02  }
0x73: {  	[timem:s3], [sflag:s2] =	dma.local @!p0 [hbm:s0], s1  }
0x74: {  	s0 =	simm.s32 @!p0 $0x2  }
0x75: {  	_ =	swait.ge @!p0 [sflag:s0], s1  }
0x76: {  	s1 =	ssub.s32 @!p0 $0x0, s1;
	[sflag:s0] =	ssyncset.done @!p0 $0x0  }
0x77: {  	[sflag:s0] =	ssyncadd.s32 @!p0 s1  }
0x78: {  	[bflag:$0x3] =	sbarrier.arrive $0xFFFF  }
0x79: {  	_ =	shalt  }

// kernel: kernel.9.cloned.1.call-start
scs
__scs_entry_jumppad:
0x0: {  	(pc) =	sbr.rel $0x88, $3  }
0x1: {  	(tag) =	ssettag $0x0;
	lr =	simm.s32 $0x1  }
0x2: {  	[smem:$0x3F9D] =	sst lr;
	_ =	strace $0xD0000000  }
0x3: {  	_ = 	snop  }
0x4: {  	_ = 	snop  }
0x5: {  	_ = 	snop  }
0x6: {  	_ = 	snop  }
0x7: {  	_ = 	snop  }
__scs_overlays_trampoline_lowered:
0x8: {  	[smem:$0x3FAC] =	sst s0  }
0x9: {  	[smem:$0x3FAD] =	sst s1  }
0xa: {  	[smem:$0x3FAE] =	sst s2  }
0xb: {  	[smem:$0x3FAF] =	sst s3  }
0xc: {  	[smem:$0x3FB0] =	sst s4  }
0xd: {  	[smem:$0x3FB1] =	sst s5  }
0xe: {  	[smem:$0x3FB2] =	sst s6  }
0xf: {  	[smem:$0x3FB3] =	sst s7  }
0x10: {  	[smem:$0x3FB4] =	sst s8  }
0x11: {  	[smem:$0x3FB5] =	sst s9;
	s0 =	simm.s32 @!p0 $0x0  }
0x12: {  	s1 =	sld [smem:$0x3F9B];
	s0 =	simm.s32 @p0 $0x1  }
0x13: {  	[smem:$0x3FB6] =	sst s0;
	s0 =	simm.s32 @!p1 $0x0  }
0x14: {  	s2 =	sld [smem:$0x3F9A];
	s0 =	simm.s32 @p1 $0x1  }
0x15: {  	[smem:$0x3FB7] =	sst s0;
	s0 =	simm.s32 @!p2 $0x0  }
0x16: {  	s3 =	sld [smem:$0x3FDB];
	s0 =	simm.s32 @p2 $0x1  }
0x17: {  	s4 =	simm.s32 $0x1BF5;
	[smem:$0x3FB9] =	sst s0  }
0x18: {  	s0 =	sld [smem:$0x3F9C];
	_ =	swait.ge [sflag:s4], $0x0  }
0x19: {  	s7 =	sld [smem:$0x3F9D]  }
0x1a: {  	s8 =	sadd.s32 $0xFFFFE003, lr  }
0x1b: {  	s9 =	sadd.s32 $0xFFFFFEF7, lr;
	s5 =	simm.s32 $0xFFFFFFFF;
	p2 =	slt.u32 s8, $0xFFFFF086  }
0x1c: {  	p1 =	slt.u32 s9, $0xF7A;
	s5 =	simm.s32 @!p2 $0x0  }
0x1d: {  	s5 =	simm.s32 @p1 $0x1;
	p0 =	seq.s32 s7, s2  }
0x1e: {  	s7 =	smul.u32 @!p0 $0xF7A, s2;
	p2 =	seq.s32 @!p0 s5, $0x0  }
0x1f: {  	s9 =	smul.u32 $0xF7A, s1;
	s8 =	simm.s32 @!p0 $0x1BF5;
	p2 =	por !p2, p0  }
0x20: {  	[sflag:s8] =	ssyncset.s32 @!p0 $0xFFFFF086;
	s6 =	sadd.s32 @!p0 s3, s7;
	s7 =	simm.s32 @!p0 $0x108  }
0x21: {  	s3 =	sadd.s32 s3, s9;
	s6 =	sadd.s32 @!p0 $0x88, s6;
	s7 =	simm.s32 @p2 $0x1082  }
0x22: {  	[simem:s7], [sflag:s8] =	dma.local @!p0 [hbm:s6], $0xF7A  }
0x23: {  	s9 =	sor.u32 $0xD0000000, s2;
	s6 =	simm.s32 $0x108;
	_ =	swait.ge @!p0 [sflag:s8], $0x0  }
0x24: {  	s3 =	sadd.s32 $0x88, s3;
	s6 =	simm.s32 @!p1 $0x1082;
	[sflag:s4] =	ssyncset.s32 $0xFFFFF086  }
0x25: {  	[simem:s6], [sflag:s4] =	dma.local [hbm:s3], $0xF7A  }
0x26: {  	[smem:$0x3F9D] =	sst s1;
	(tag) =	ssettag s2;
	_ =	strace s9  }
0x27: {  	s1 =	sld [smem:$0x3FAD]  }
0x28: {  	s2 =	sld [smem:$0x3FAE]  }
0x29: {  	s4 =	sld [smem:$0x3FB0]  }
0x2a: {  	p0 =	seq.s32 s5, $0x0;
	s5 =	sld [smem:$0x3FB1]  }
0x2b: {  	s6 =	sld [smem:$0x3FB2]  }
0x2c: {  	s7 =	sld [smem:$0x3FB3]  }
0x2d: {  	s3 =	simm.s32 $0x108;
	s8 =	sld [smem:$0x3FB4]  }
0x2e: {  	s3 =	simm.s32 @!p0 $0x1082;
	s9 =	sld [smem:$0x3FB5]  }
0x2f: {  	lr =	sadd.s32 s0, s3;
	s0 =	sld [smem:$0x3FAC]  }
0x30: {  	s3 =	sld [smem:$0x3FAF]  }
0x31: {  	[smem:$0x3FB8] =	sst s10  }
0x32: {  	s10 =	sld [smem:$0x3FB6];
	_ =	sdelay $0x3  }
0x33: {  	p0 =	seq.s32 s10, $0x1;
	s10 =	sld [smem:$0x3FB8];
	_ =	sdelay $0x3  }
0x34: {  	[smem:$0x3FB8] =	sst s10  }
0x35: {  	s10 =	sld [smem:$0x3FB7];
	_ =	sdelay $0x3  }
0x36: {  	p1 =	seq.s32 s10, $0x1;
	s10 =	sld [smem:$0x3FB8];
	_ =	sdelay $0x3  }
0x37: {  	[smem:$0x3FB8] =	sst s10  }
0x38: {  	s10 =	sld [smem:$0x3FB9]  }
0x39: {  	_ = 	snop;
	(pc) =	sbr.ind lr, $3  }
0x3a: {  	_ = 	snop  }
0x3b: {  	_ = 	snop  }
0x3c: {  	p2 =	seq.s32 s10, $0x1;
	s10 =	sld [smem:$0x3FB8]  }
0x3d: {  	_ =	shalt  }
0x3e: {  	_ =	shalt  }
0x3f: {  	_ =	shalt  }
0x40: {  	_ =	shalt  }
0x41: {  	_ =	shalt  }
0x42: {  	_ =	shalt  }
0x43: {  	_ =	shalt  }
0x44: {  	_ =	shalt  }
0x45: {  	_ =	shalt  }
0x46: {  	_ =	shalt  }
0x47: {  	_ =	shalt  }
0x48: {  	_ =	shalt  }
0x49: {  	_ =	shalt  }
0x4a: {  	_ =	shalt  }
0x4b: {  	_ =	shalt  }
0x4c: {  	_ =	shalt  }
0x4d: {  	_ =	shalt  }
0x4e: {  	_ =	shalt  }
0x4f: {  	_ =	shalt  }
0x50: {  	_ =	shalt  }
0x51: {  	_ =	shalt  }
0x52: {  	_ =	shalt  }
0x53: {  	_ =	shalt  }
0x54: {  	_ =	shalt  }
0x55: {  	_ =	shalt  }
0x56: {  	_ =	shalt  }
0x57: {  	_ =	shalt  }
0x58: {  	_ =	shalt  }
0x59: {  	_ =	shalt  }
0x5a: {  	_ =	shalt  }
0x5b: {  	_ =	shalt  }
0x5c: {  	_ =	shalt  }
0x5d: {  	_ =	shalt  }
0x5e: {  	_ =	shalt  }
0x5f: {  	_ =	shalt  }
0x60: {  	_ =	shalt  }
0x61: {  	_ =	shalt  }
0x62: {  	_ =	shalt  }
0x63: {  	_ =	shalt  }
0x64: {  	_ =	shalt  }
0x65: {  	_ =	shalt  }
0x66: {  	_ =	shalt  }
0x67: {  	_ =	shalt  }
0x68: {  	_ =	shalt  }
0x69: {  	_ =	shalt  }
0x6a: {  	_ =	shalt  }
0x6b: {  	_ =	shalt  }
0x6c: {  	_ =	shalt  }
0x6d: {  	_ =	shalt  }
0x6e: {  	_ =	shalt  }
0x6f: {  	_ =	shalt  }
0x70: {  	_ =	shalt  }
0x71: {  	_ =	shalt  }
0x72: {  	_ =	shalt  }
0x73: {  	_ =	shalt  }
0x74: {  	_ =	shalt  }
0x75: {  	_ =	shalt  }
0x76: {  	_ =	shalt  }
0x77: {  	_ =	shalt  }
0x78: {  	_ =	shalt  }
0x79: {  	_ =	shalt  }
0x7a: {  	_ =	shalt  }
0x7b: {  	_ =	shalt  }
0x7c: {  	_ =	shalt  }
0x7d: {  	_ =	shalt  }
0x7e: {  	_ =	shalt  }
0x7f: {  	_ =	shalt  }
0x80: {  	_ =	shalt  }
0x81: {  	_ =	shalt  }
0x82: {  	_ =	shalt  }
0x83: {  	_ =	shalt  }
0x84: {  	_ =	shalt  }
0x85: {  	_ =	shalt  }
0x86: {  	_ =	shalt  }
0x87: {  	_ =	shalt  }
.Lfunc_end0:
.L_simem_size_0:
called_computation.1_lowered:
.L_overlay_start_0:
0x88: {  	s2 =	sld [smem:$0x3FD9]  }
0x89: {  	s3 =	sld [smem:$0x3FFE];
	_ =	sdelay $0x1  }
0x8a: {  	s1 =	srdreg.scid  }
0x8b: {  	s0 =	sand.u32 $0x1, s1  }
0x8c: {  	s17 =	sshll.u32 s0, $0xA;
	s2 =	sadd.s32 s3, s2  }
0x8d: {  	s2 =	sadd.s32 s2, s17  }
0x8e: {  	[smem:$0x3FC4] =	sst s2  }
0x8f: {  	_ = 	snop  }
0x90: {  	s2 =	sld [smem:$0x3FD0];
	(tm) =	ssettm $0x1  }
0x91: {  	s18 =	sld [smem:$0x3FFB];
	_ =	sdelay $0x3  }
0x92: {  	_ =	strace s18  }
0x93: {  	s3 =	sld [smem:$0x3FFC];
	_ =	sdelay $0x3  }
0x94: {  	_ =	strace s3  }
0x95: {  	s3 =	sld [smem:$0x3FFD];
	_ =	sdelay $0x3  }
0x96: {  	_ =	strace s3  }
0x97: {  	_ =	strace $0x8FFFFFFF  }
0x98: {  	s19 =	sld [smem:$0x3FDB];
	_ =	sdelay $0x1  }
0x99: {  	s4 =	simm.s32 $_scs_section_size  }
0x9a: {  	s5 =	simm.s32 $_size__tile_overlayer_lowered;
	s6 =	simm.s32 $_tile_overlayer_lowered  }
0x9b: {  	s22 =	simm.s32 $0x1BFF;
	s21 =	sshll.u32 s6, $0x1;
	s3 =	sadd.s32 s4, s19  }
0x9c: {  	s7 =	simm.s32 $0x0;
	s20 =	sshll.u32 s5, $0x1;
	s5 =	sadd.s32 s21, s3  }
0x9d: {  	[timem:s7], [sflag:s22] =	dma.local [hbm:s5], s20  }
0x9e: {  	_ =	swait.ge [sflag:s22], s20  }
0x9f: {  	s4 =	ssub.s32 $0x0, s20;
	[sflag:s22] =	ssyncset.done $0x0  }
0xa0: {  	[sflag:s22] =	ssyncadd.s32 s4;
	_ =	sdelay $0x1  }
0xa1: {  	s23 =	simm.s32 $0x1B8B  }
0xa2: {  	_ =	swait.ge [sflag:s23], $0x1  }
0xa3: {  	[sflag:s23] =	ssyncset.done $0x0  }
0xa4: {  	s25 =	simm.s32 $0x1B8E;
	s24 =	sld [smem:$0x3FFE];
	[sflag:s23] =	ssyncadd.s32 $0xFFFFFFFF  }
0xa5: {  	s26 =	simm.s32 $execute0_lowered;
	[smem:$0x3FD2] =	sst s25  }
0xa6: {  	s5 =	sshll.u32 s26, $0x1;
	_ =	strace $0x80000049;
	[dreg:$0x1] =	wrdreg $0xFFFFFFFF  }
0xa7: {  	s28 =	simm.s32 $_size_execute0_lowered;
	s3 =	sadd.s32 s3, s5;
	[dreg:$0x0] =	wrdreg $0x0  }
0xa8: {  	s5 =	sshll.u32 s28, $0x1;
	[dreg:$0x2] =	wrdreg s3  }
0xa9: {  	[dreg:$0x3] =	wrdreg s5  }
0xaa: {  	[dreg:$0x4] =	wrdreg $0xC0  }
0xab: {  	_ =	task [dreg:s7], $0x5FFFF  }
0xac: {  	[dreg:$0x1] =	wrdreg $0xFFFFFFFF  }
0xad: {  	[dreg:$0x0] =	wrdreg $0x60  }
0xae: {  	[dreg:$0x2] =	wrdreg s24  }
0xaf: {  	[dreg:$0x3] =	wrdreg s2  }
0xb0: {  	[dreg:$0x4] =	wrdreg $0xBC000  }
0xb1: {  	[dreg:$0x5] =	wrdreg $0x9  }
0xb2: {  	_ =	task.clear_ibuf [dreg:s7], $0x6FFFF;
	_ =	strace $0x90000049  }
0xb3: {  	s29 =	simm.s32 $0x9;
	_ =	strace $0x8000004B  }
0xb4: {  	_ =	swait.ge [sflag:s29], $0x1  }
0xb5: {  	[sflag:s29] =	ssyncadd.s32 $0xFFFFFFFF  }
0xb6: {  	_ =	strace $0x9000004B  }
0xb7: {  	_ =	sfence  }
0xb8: {  	s30 =	sld [smem:$0x0];
	_ =	sdelay $0x2  }
0xb9: {  	s31 =	sshll.u32 s1, $0xD;
	s1 =	sshrl.u32 s1, $0x2  }
0xba: {  	s3 =	sand.u32 $0x4000, s31;
	s1 =	sadd.s32 s1, s30  }
0xbb: {  	s0 =	sor.u32 s3, s0;
	s1 =	sshll.u32 s1, $0x11  }
0xbc: {  	s0 =	sor.u32 s1, s0  }
0xbd: {  	s0 =	sadd.s32 $0x8F2B, s0  }
0xbe: {  	[sflag:s0] =	ssyncadd.remote.s32 $0x1  }
0xbf: {  	_ =	sfence.sel $0xFFFF  }
0xc0: {  	[dreg:$0x0] =	wrdreg $0xFFFFFFFF;
	(pc) =	sbr.abs _section_cstart, $3  }
0xc1: {  	[dreg:$0x1] =	wrdreg $0xFFFFFFFF  }
0xc2: {  	_ =	task.clear_ibuf [dreg:s7], $0x2FFFF;
	_ =	strace $0x9FFFFFFF  }
0xc3: {  	(tm) =	ssettm $0x7FFFFFFF  }
tec
execute0_lowered:
.L_overlay_start_1:
0x0: {  	(tag) =	ssettag $0x1  }
0x1: {  	s0 =	srdreg.scid;
	s1 =	rddreg [dreg:$0x0]  }
0x2: {  	s11 =	stileid.u32;
	s2 =	rddreg [dreg:$0x1]  }
0x3: {  	s4 =	simm.s32 $0x0;
	s28 =	simm.s32 $0x5;
	s29 =	simm.s32 $0x1400  }
0x4: {  	s30 =	simm.s32 $0x80;
	s31 =	simm.s32 $0x7C00;
	s0 =	sand.u32 $0x1, s0  }
0x5: {  	[smem:$0x7FF] =	sst s4;
	s17 =	sadd.s32 $0x15000, s1;
	s10 =	smul.u32 $0x4E000, s11  }
0x6: {  	s24 =	smul.u32 $0x13800, s11;
	p0 =	sne.s32 s11, $0xF;
	s3 =	sshll.u32 s0, $0x4  }
0x7: {  	s18 =	ssub.s32 $0x2, s0;
	s5 =	sor.u32 s11, s3;
	s3 =	rddreg [dreg:$0x2]  }
0x8: {  	s0 =	smul.u32 $0x138800, s0;
	_ =	strace $0x8000004A;
	[dreg:$0x4] =	wrdreg s17  }
0x9: {  	s8 =	sshrl.u32 s18, $0x1;
	s20 =	sshrl.u32 s10, $0x2;
	s6 =	smul.u32 $0x2780, s5  }
0xa: {  	s5 =	smul.u32 $0x500, s5;
	s8 =	ssub.s32 s18, s8;
	s19 =	sshrl.u32 s0, $0x3  }
0xb: {  	s12 =	sadd.s32 s20, s3;
	s0 =	sadd.s32 s24, s0;
	s21 =	smax.u32 s8, $0x1  }
0xc: {  	s22 =	sadd.s32 $0x1800, s12;
	s23 =	sadd.s32 $0x3000, s12;
	[dreg:$0x8] =	wrdreg s21  }
0xd: {  	s25 =	sadd.s32 $0x6000, s12;
	s26 =	sadd.s32 $0x7800, s12;
	[dreg:$0x9] =	wrdreg s22  }
0xe: {  	s18 =	sadd.s32 $0x9000, s12;
	s20 =	sadd.s32 $0xC000, s12;
	[dreg:$0xa] =	wrdreg s23  }
0xf: {  	s0 =	sshrl.u32 s0, $0x3;
	s8 =	simm.s32 $0x0;
	[dreg:$0xc] =	wrdreg s25  }
0x10: {  	s6 =	sshrl.u32 s6, $0x3;
	s5 =	sadd.s32 s5, s1;
	[dreg:$0xd] =	wrdreg s26  }
0x11: {  	s21 =	sadd.s32 $0xD800, s12;
	s22 =	sadd.s32 $0xF000, s12;
	s23 =	sadd.s32 $0x10800, s12  }
0x12: {  	s25 =	sadd.s32 $0x12000, s12;
	s26 =	simm.s32 $0x3C00;
	s7 =	sadd.s32 s6, s1  }
0x13: {  	s1 =	sadd.s32 $0x15400, s1;
	s6 =	sadd.s32 $0x138000, s3;
	s5 =	sadd.s32 $0xB000, s5  }
0x14: {  	s9 =	sadd.s32 $0x1200, s7;
	[dreg:$0x6] =	wrdreg s5;
	s5 =	sadd.s32 s1, s19  }
0x15: {  	s19 =	sadd.s32 $0xA800, s12;
	s24 =	sadd.s32 s0, s1;
	s1 =	simm.s32 $0x2  }
0x16: {  	s0 =	simm.s32 $0x3;
	[dreg:$0x5] =	wrdreg s9;
	s5 =	sadd.s32 $0x27000, s5  }
0x17: {  	s9 =	sadd.s32 $0x1480, s7;
	s7 =	sadd.s32 $0x4800, s12;
	[dreg:$0x7] =	wrdreg s5  }
0x18: {  	[dreg:$0xb] =	wrdreg s7;
	s5 =	simm.s32 $0x4;
	s7 =	simm.s32 $0x1  }
.LBB2_1:
0x19: {  	s10 =	rddreg [dreg:$0x4]  }
0x1a: {  	[tilespmem:s26], [sflag:$0x5] =	stream.linear.gather [hbm4b:s10+s4], $0x1800, $0x38;
	[tilespmem:$0x1F580] =	vst v63  }
0x1b: {  	_ =	swait.ge [sflag:s28], $0x1800  }
0x1c: {  	[sflag:s28] =	ssyncset.done $0x0  }
0x1d: {  	[sflag:s28] =	ssyncadd.s32 $0xFFFFE800  }
0x1e: {  	[spmem:s12] =	stream.linear.scatter [tilespmem:s26], [sflag:$0x5], $0x1800, $0x38;
	[tilespmem:$0x1F580] =	vst v63  }
0x1f: {  	_ =	swait.ge [sflag:s28], $0x1800  }
0x20: {  	[sflag:s28] =	ssyncset.done $0x0  }
0x21: {  	s13 =	rddreg [dreg:$0x9];
	[sflag:s28] =	ssyncadd.s32 $0xFFFFE800  }
0x22: {  	[spmem:s13] =	stream.linear.scatter [tilespmem:s26], [sflag:$0x5], $0x1800, $0x38;
	[tilespmem:$0x1F580] =	vst v63  }
0x23: {  	_ =	swait.ge [sflag:s28], $0x1800  }
0x24: {  	[sflag:s28] =	ssyncset.done $0x0  }
0x25: {  	s14 =	rddreg [dreg:$0xa];
	[sflag:s28] =	ssyncadd.s32 $0xFFFFE800  }
0x26: {  	[spmem:s14] =	stream.linear.scatter [tilespmem:s26], [sflag:$0x5], $0x1800, $0x38;
	[tilespmem:$0x1F580] =	vst v63  }
0x27: {  	_ =	swait.ge [sflag:s28], $0x1800  }
0x28: {  	[sflag:s28] =	ssyncset.done $0x0  }
0x29: {  	s15 =	rddreg [dreg:$0xb];
	[sflag:s28] =	ssyncadd.s32 $0xFFFFE800  }
0x2a: {  	[spmem:s15] =	stream.linear.scatter [tilespmem:s26], [sflag:$0x5], $0x1800, $0x38;
	[tilespmem:$0x1F580] =	vst v63  }
0x2b: {  	_ =	swait.ge [sflag:s28], $0x1800  }
0x2c: {  	[sflag:s28] =	ssyncset.done $0x0  }
0x2d: {  	s16 =	rddreg [dreg:$0xc];
	[sflag:s28] =	ssyncadd.s32 $0xFFFFE800  }
0x2e: {  	[spmem:s16] =	stream.linear.scatter [tilespmem:s26], [sflag:$0x5], $0x1800, $0x38;
	[tilespmem:$0x1F580] =	vst v63  }
0x2f: {  	_ =	swait.ge [sflag:s28], $0x1800  }
0x30: {  	[sflag:s28] =	ssyncset.done $0x0  }
0x31: {  	s17 =	rddreg [dreg:$0xd];
	[sflag:s28] =	ssyncadd.s32 $0xFFFFE800  }
0x32: {  	[spmem:s17] =	stream.linear.scatter [tilespmem:s26], [sflag:$0x5], $0x1800, $0x38;
	[tilespmem:$0x1F580] =	vst v63  }
0x33: {  	_ =	swait.ge [sflag:s28], $0x1800  }
0x34: {  	[sflag:s28] =	ssyncset.done $0x0  }
0x35: {  	[sflag:s28] =	ssyncadd.s32 $0xFFFFE800  }
0x36: {  	[spmem:s18] =	stream.linear.scatter [tilespmem:s26], [sflag:$0x5], $0x1800, $0x38;
	[tilespmem:$0x1F580] =	vst v63  }
0x37: {  	_ =	swait.ge [sflag:s28], $0x1800  }
0x38: {  	[sflag:s28] =	ssyncset.done $0x0  }
0x39: {  	[sflag:s28] =	ssyncadd.s32 $0xFFFFE800  }
0x3a: {  	[spmem:s19] =	stream.linear.scatter [tilespmem:s26], [sflag:$0x5], $0x1800, $0x38;
	[tilespmem:$0x1F580] =	vst v63  }
0x3b: {  	_ =	swait.ge [sflag:s28], $0x1800  }
0x3c: {  	[sflag:s28] =	ssyncset.done $0x0  }
0x3d: {  	[sflag:s28] =	ssyncadd.s32 $0xFFFFE800  }
0x3e: {  	[spmem:s20] =	stream.linear.scatter [tilespmem:s26], [sflag:$0x5], $0x1800, $0x38;
	[tilespmem:$0x1F580] =	vst v63  }
0x3f: {  	_ =	swait.ge [sflag:s28], $0x1800  }
0x40: {  	[sflag:s28] =	ssyncset.done $0x0  }
0x41: {  	[sflag:s28] =	ssyncadd.s32 $0xFFFFE800  }
0x42: {  	[spmem:s21] =	stream.linear.scatter [tilespmem:s26], [sflag:$0x5], $0x1800, $0x38;
	[tilespmem:$0x1F580] =	vst v63  }
0x43: {  	_ =	swait.ge [sflag:s28], $0x1800  }
0x44: {  	[sflag:s28] =	ssyncset.done $0x0  }
0x45: {  	[sflag:s28] =	ssyncadd.s32 $0xFFFFE800  }
0x46: {  	[spmem:s22] =	stream.linear.scatter [tilespmem:s26], [sflag:$0x5], $0x1800, $0x38;
	[tilespmem:$0x1F580] =	vst v63  }
0x47: {  	_ =	swait.ge [sflag:s28], $0x1800  }
0x48: {  	[sflag:s28] =	ssyncset.done $0x0  }
0x49: {  	[sflag:s28] =	ssyncadd.s32 $0xFFFFE800  }
0x4a: {  	[spmem:s23] =	stream.linear.scatter [tilespmem:s26], [sflag:$0x5], $0x1800, $0x38;
	[tilespmem:$0x1F580] =	vst v63  }
0x4b: {  	_ =	swait.ge [sflag:s28], $0x1800  }
0x4c: {  	[sflag:s28] =	ssyncset.done $0x0  }
0x4d: {  	[sflag:s28] =	ssyncadd.s32 $0xFFFFE800  }
0x4e: {  	[spmem:s25] =	stream.linear.scatter [tilespmem:s26], [sflag:$0x5], $0x1800, $0x38;
	[tilespmem:$0x1F580] =	vst v63  }
0x4f: {  	_ =	swait.ge [sflag:s28], $0x1800  }
0x50: {  	[sflag:s28] =	ssyncset.done $0x0  }
0x51: {  	s10 =	simm.s32 @!p0 $0x3C00;
	[sflag:s28] =	ssyncadd.s32 $0xFFFFE800  }
0x52: {  	[spmem:s6] =	stream.linear.scatter @!p0 [tilespmem:s10], [sflag:$0x5], $0x1800, $0x38;
	[tilespmem:$0x1F580] =	vst v63  }
0x53: {  	s10 =	simm.s32 @!p0 $0x5  }
0x54: {  	_ =	swait.ge @!p0 [sflag:s10], $0x1800  }
0x55: {  	[sflag:s10] =	ssyncset.done @!p0 $0x0  }
0x56: {  	s11 =	rddreg [dreg:$0x5];
	[sflag:s10] =	ssyncadd.s32 @!p0 $0xFFFFE800  }
0x57: {  	[tilespmem:s4], [sflag:$0x5] =	stream.linear.gather [hbm4b:s11+s4], $0x1400, $0x38;
	[tilespmem:$0x1F580] =	vst v63  }
0x58: {  	_ =	swait.ge [sflag:s28], $0x1400  }
0x59: {  	[sflag:s28] =	ssyncset.done $0x0  }
0x5a: {  	s13 =	rddreg [dreg:$0x6];
	[sflag:s28] =	ssyncadd.s32 $0xFFFFEC00  }
0x5b: {  	[tilespmem:s29], [sflag:$0x5] =	stream.linear.gather [hbm4b:s13+s4], $0x2780, $0x38;
	[tilespmem:$0x1F580] =	vst v63  }
0x5c: {  	_ =	swait.ge [sflag:s28], $0x2780  }
0x5d: {  	[sflag:s28] =	ssyncset.done $0x0  }
0x5e: {  	[sflag:s28] =	ssyncadd.s32 $0xFFFFD880  }
0x5f: {  	[bflag:$0x0] =	sbarrier.arrive $0xFFFF  }
0x60: {  	[tilespmem:s26], [sflag:$0x1] =	stream.indirect.gather [hbm4b:s2+s30], $0x80, s4, s30, $0xb8;
	[tilespmem:$0x1F580] =	vst v63  }
0x61: {  	_ =	swait.ge [sflag:s7], $0x4000  }
0x62: {  	[sflag:s7] =	ssyncset.done $0x0  }
0x63: {  	[sflag:s7] =	ssyncadd.s32 $0xFFFFC000  }
0x64: {  	[spmem:s3] =	stream.indirect.scatter.add.f32 [tilespmem:s26], [sflag:$0x3], $0x80, s29, s30, $0xb8;
	[tilespmem:$0x1F580] =	vst v63  }
0x65: {  	_ = 	snop  }
0x66: {  	[tilespmem:s31], [sflag:$0x2] =	stream.indirect.gather [hbm4b:s2+s30], $0x80, s30, s30, $0xb8;
	[tilespmem:$0x1F580] =	vst v63  }
0x67: {  	_ =	swait.ge [sflag:s1], $0x4000  }
0x68: {  	[sflag:s1] =	ssyncset.done $0x0  }
0x69: {  	s14 =	simm.s32 $0x1480;
	[sflag:s1] =	ssyncadd.s32 $0xFFFFC000  }
0x6a: {  	[spmem:s3] =	stream.indirect.scatter.add.f32 [tilespmem:s31], [sflag:$0x4], $0x80, s14, s30, $0xb8;
	[tilespmem:$0x1F580] =	vst v63  }
0x6b: {  	_ =	swait.ge [sflag:s0], $0x4000  }
0x6c: {  	[sflag:s0] =	ssyncset.done $0x0  }
0x6d: {  	s15 =	simm.s32 $0x100;
	[sflag:s0] =	ssyncadd.s32 $0xFFFFC000  }
0x6e: {  	[tilespmem:s26], [sflag:$0x1] =	stream.indirect.gather [hbm4b:s2+s30], $0x80, s15, s30, $0xb8;
	[tilespmem:$0x1F580] =	vst v63  }
0x6f: {  	p1 =	por $0x1, $0x1;
	_ =	swait.ge [sflag:s5], $0x4000  }
0x70: {  	s10 =	simm.s32 $0x180;
	s11 =	simm.s32 $0xFFFFED80;
	[sflag:s5] =	ssyncset.done $0x0  }
0x71: {  	s11 =	smov.u32 @p1 s10;
	[sflag:s5] =	ssyncadd.s32 $0xFFFFC000  }
0x72: {  	[tilespmem:s31], [sflag:$0x2] =	stream.indirect.gather [hbm4b:s2+s30], $0x80, s11, s30, $0xb8;
	[tilespmem:$0x1F580] =	vst v63  }
0x73: {  	_ =	swait.ge [sflag:s7], $0x4000  }
0x74: {  	[sflag:s7] =	ssyncset.done $0x0  }
0x75: {  	s16 =	simm.s32 $0x1500;
	[sflag:s7] =	ssyncadd.s32 $0xFFFFC000  }
0x76: {  	[spmem:s3] =	stream.indirect.scatter.add.f32 [tilespmem:s26], [sflag:$0x3], $0x80, s16, s30, $0xb8;
	[tilespmem:$0x1F580] =	vst v63  }
0x77: {  	_ =	swait.ge [sflag:s1], $0x4000  }
0x78: {  	p1 =	por $0x1, $0x1;
	[sflag:s1] =	ssyncset.done $0x0  }
0x79: {  	s10 =	simm.s32 @!p1 $0x0;
	s11 =	simm.s32 @!p1 $0x5;
	[sflag:s1] =	ssyncadd.s32 $0xFFFFC000  }
0x7a: {  	[tilespmem:s10], [sflag:$0x5] =	stream.linear.gather @!p1 [hbm4b:s9+s10], $0x1380, $0x38;
	[tilespmem:$0x1F580] =	vst v63  }
0x7b: {  	_ =	swait.ge @!p1 [sflag:s11], $0x1380  }
0x7c: {  	s17 =	simm.s32 $0x1580;
	[sflag:s11] =	ssyncset.done @!p1 $0x0  }
0x7d: {  	[sflag:s11] =	ssyncadd.s32 @!p1 $0xFFFFEC80;
	p1 =	por $0x1, $0x1;
	s11 =	simm.s32 $0x400  }
0x7e: {  	[spmem:s3] =	stream.indirect.scatter.add.f32 [tilespmem:s31], [sflag:$0x4], $0x80, s17, s30, $0xb8;
	[tilespmem:$0x1F580] =	vst v63  }
0x7f: {  	s13 =	simm.s32 $0x1;
	s11 =	simm.s32 @!p1 $0xFFFFB400;
	_ =	swait.ge [sflag:s0], $0x4000  }
0x80: {  	s10 =	simm.s32 $0x400;
	s11 =	sadd.s32 $0x0, s11;
	[sflag:s0] =	ssyncset.done $0x0  }
0x81: {  	s14 =	sshra.s32 s11, $0x2;
	s11 =	simm.s32 $0x280;
	[sflag:s0] =	ssyncadd.s32 $0xFFFFC000  }
.LBB2_2:
0x82: {  	s14 =	sadd.s32 $0x100, s14  }
0x83: {  	s13 =	sadd.s32 $0x1, s13;
	s15 =	smov.u32 s10;
	s10 =	sadd.s32 $0x400, s10  }
0x84: {  	[tilespmem:s26], [sflag:$0x1] =	stream.indirect.gather [hbm4b:s2+s30], $0x80, s14, s30, $0xb8;
	[tilespmem:$0x1F580] =	vst v63  }
0x85: {  	p1 =	sne.s32 s10, $0x9800;
	_ =	swait.ge [sflag:s5], $0x4000  }
0x86: {  	p2 =	slt.u32 s13, $0x14;
	s14 =	sadd.s32 $0xFFFFEC00, s11;
	[sflag:s5] =	ssyncset.done $0x0  }
0x87: {  	s14 =	smov.u32 @p2 s11;
	[sflag:s5] =	ssyncadd.s32 $0xFFFFC000  }
0x88: {  	[tilespmem:s31], [sflag:$0x2] =	stream.indirect.gather [hbm4b:s2+s30], $0x80, s14, s30, $0xb8;
	[tilespmem:$0x1F580] =	vst v63  }
0x89: {  	_ =	swait.ge [sflag:s7], $0x4000  }
0x8a: {  	s14 =	sshra.s32 s15, $0x2;
	[sflag:s7] =	ssyncset.done $0x0  }
0x8b: {  	s16 =	sadd.s32 $0x1500, s14;
	[sflag:s7] =	ssyncadd.s32 $0xFFFFC000  }
0x8c: {  	[spmem:s3] =	stream.indirect.scatter.add.f32 [tilespmem:s26], [sflag:$0x3], $0x80, s16, s30, $0xb8;
	[tilespmem:$0x1F580] =	vst v63  }
0x8d: {  	_ =	swait.ge [sflag:s1], $0x4000  }
0x8e: {  	p2 =	sne.s32 s15, $0x4800;
	[sflag:s1] =	ssyncset.done $0x0  }
0x8f: {  	s17 =	simm.s32 @!p2 $0x5;
	s16 =	simm.s32 @!p2 $0x0;
	[sflag:s1] =	ssyncadd.s32 $0xFFFFC000  }
0x90: {  	[tilespmem:s16], [sflag:$0x5] =	stream.linear.gather @!p2 [hbm4b:s9+s16], $0x1380, $0x38;
	[tilespmem:$0x1F580] =	vst v63  }
0x91: {  	_ =	swait.ge @!p2 [sflag:s17], $0x1380  }
0x92: {  	[sflag:s17] =	ssyncset.done @!p2 $0x0  }
0x93: {  	s14 =	sadd.s32 $0x1580, s14;
	[sflag:s17] =	ssyncadd.s32 @!p2 $0xFFFFEC80;
	p2 =	slt.u32 s13, $0x13  }
0x94: {  	[spmem:s3] =	stream.indirect.scatter.add.f32 [tilespmem:s31], [sflag:$0x4], $0x80, s14, s30, $0xb8;
	[tilespmem:$0x1F580] =	vst v63  }
.Ltmp0:
0x95: {  	_ = 	snop;
	(pc) =	sbr.rel @p1 .LBB2_2-.Ltmp0, $4  }
0x96: {  	s14 =	simm.s32 $0x400  }
0x97: {  	_ =	swait.ge [sflag:s0], $0x4000;
	s14 =	simm.s32 @!p2 $0xFFFFB400  }
0x98: {  	[sflag:s0] =	ssyncset.done $0x0;
	s14 =	sadd.s32 s14, s15  }
0x99: {  	s11 =	sadd.s32 $0x100, s11;
	[sflag:s0] =	ssyncadd.s32 $0xFFFFC000;
	s14 =	sshra.s32 s14, $0x2  }
0x9a: {  	s10 =	sadd.s32 $0x100, s14  }
0x9b: {  	[tilespmem:s26], [sflag:$0x1] =	stream.indirect.gather [hbm4b:s2+s30], $0x80, s10, s30, $0xb8;
	[tilespmem:$0x1F580] =	vst v63  }
0x9c: {  	_ =	swait.ge [sflag:s7], $0x4000  }
0x9d: {  	[sflag:s7] =	ssyncset.done $0x0  }
0x9e: {  	s16 =	simm.s32 $0x3B00;
	[sflag:s7] =	ssyncadd.s32 $0xFFFFC000  }
0x9f: {  	[spmem:s3] =	stream.indirect.scatter.add.f32 [tilespmem:s26], [sflag:$0x3], $0x80, s16, s30, $0xb8;
	[tilespmem:$0x1F580] =	vst v63  }
0xa0: {  	_ =	swait.ge [sflag:s5], $0x4000  }
0xa1: {  	[sflag:s5] =	ssyncset.done $0x0  }
0xa2: {  	[sflag:s5] =	ssyncadd.s32 $0xFFFFC000  }
0xa3: {  	_ =	swait.ge [sflag:s0], $0x4000  }
0xa4: {  	[sflag:s0] =	ssyncset.done $0x0  }
0xa5: {  	[sflag:s0] =	ssyncadd.s32 $0xFFFFC000  }
0xa6: {  	[bflag:$0x0] =	sbarrier.arrive $0xFFFF  }
0xa7: {  	[tilespmem:s26], [sflag:$0x5] =	stream.linear.gather [spmem:s12], $0x1800, $0x38;
	[tilespmem:$0x1F580] =	vst v63  }
0xa8: {  	_ =	swait.ge [sflag:s28], $0x1800  }
0xa9: {  	[sflag:s28] =	ssyncset.done $0x0  }
0xaa: {  	s17 =	sadd.s32 $0x0, s24;
	[sflag:s28] =	ssyncadd.s32 $0xFFFFE800  }
0xab: {  	[hbm4b:s17+s4] =	stream.linear.scatter [tilespmem:s26], [sflag:$0x5], $0x1800, $0x38;
	[tilespmem:$0x1F580] =	vst v63  }
0xac: {  	_ =	swait.ge [sflag:s28], $0x1800  }
0xad: {  	s11 =	smov.u32 s12;
	s10 =	simm.s32 $0x300;
	[sflag:s28] =	ssyncset.done $0x0  }
.LBB2_4:
0xae: {  	p1 =	sne.s32 s10, $0x2400;
	[sflag:s28] =	ssyncadd.s32 $0xFFFFE800;
	s11 =	sadd.s32 $0x1800, s11  }
0xaf: {  	[tilespmem:s26], [sflag:$0x5] =	stream.linear.gather [spmem:s11], $0x1800, $0x38;
	[tilespmem:$0x1F580] =	vst v63  }
0xb0: {  	s13 =	smov.u32 s10;
	s10 =	sadd.s32 $0x300, s10;
	_ =	swait.ge [sflag:s28], $0x1800  }
.Ltmp1:
0xb1: {  	[sflag:s28] =	ssyncset.done $0x0;
	(pc) =	sbr.rel @p1 .LBB2_4-.Ltmp1, $4  }
0xb2: {  	s13 =	sadd.s32 s13, s24;
	[sflag:s28] =	ssyncadd.s32 $0xFFFFE800  }
0xb3: {  	[hbm4b:s13+s4] =	stream.linear.scatter [tilespmem:s26], [sflag:$0x5], $0x1800, $0x38;
	[tilespmem:$0x1F580] =	vst v63  }
0xb4: {  	_ =	swait.ge [sflag:s28], $0x1800  }
0xb5: {  	[sflag:s28] =	ssyncset.done $0x0  }
0xb6: {  	[sflag:s28] =	ssyncadd.s32 $0xFFFFE800;
	s10 =	simm.s32 @!p0 $0x3C00;
	s11 =	simm.s32 @!p0 $0x5  }
0xb7: {  	[tilespmem:s10], [sflag:$0x5] =	stream.linear.gather @!p0 [spmem:s6], $0x800, $0x38;
	[tilespmem:$0x1F580] =	vst v63  }
0xb8: {  	_ =	swait.ge @!p0 [sflag:s11], $0x800  }
0xb9: {  	[sflag:s11] =	ssyncset.done @!p0 $0x0  }
0xba: {  	s13 =	simm.s32 @!p0 $0x0;
	s14 =	rddreg [dreg:$0x7];
	[sflag:s11] =	ssyncadd.s32 @!p0 $0xFFFFF800  }
0xbb: {  	[hbm4b:s14+s13] =	stream.linear.scatter @!p0 [tilespmem:s10], [sflag:$0x5], $0x800, $0x38;
	[tilespmem:$0x1F580] =	vst v63  }
0xbc: {  	_ =	swait.ge @!p0 [sflag:s11], $0x800  }
0xbd: {  	s8 =	sadd.s32 $0x1, s8;
	s17 =	rddreg [dreg:$0x8]  }
0xbe: {  	p1 =	sne.s32 s8, s17  }
.Ltmp2:
0xbf: {  	_ = 	snop;
	(pc) =	sbr.rel @p1 .LBB2_1-.Ltmp2, $3  }
0xc0: {  	_ =	sdelay $0x1  }
0xc1: {  	[sflag:s11] =	ssyncset.done @!p0 $0x0  }
0xc2: {  	[sflag:s11] =	ssyncadd.s32 @!p0 $0xFFFFF800  }
0xc3: {  	_ =	sfence.sel $0x180000  }
0xc4: {  	[bflag:$0x0] =	sbarrier.arrive $0xFFFF  }
0xc5: {  	_ =	strace $0x9000004A  }
0xc6: {  	s0 =	stileid.u32;
	[bflag:$0x2] =	sbarrier.arrive $0xFFFF  }
0xc7: {  	p0 =	sne.s32 s0, $0x0;
	s0 =	rddreg [dreg:$0x3]  }
0xc8: {  	s0 =	sadd.s32 @!p0 $0x100000, s0  }
0xc9: {  	[sflag:s0] =	ssyncadd.tile.s32 @!p0 $0x1;
	_ =	shalt  }
.Lfunc_end2:
_tile_overlayer_lowered:
.L_overlay_start_2:
0xca: {  	(tag) =	ssettag $0x2  }
0xcb: {  	s0 =	rddreg [dreg:$0x0];
	s2 =	stileid.u32  }
0xcc: {  	s1 =	rddreg [dreg:$0x1];
	p0 =	sne.s32 s2, $0x0  }
0xcd: {  	s3 =	rddreg [dreg:$0x2];
	[bflag:$0x3] =	sbarrier.arrive $0xFFFF;
	s2 =	simm.s32 @!p0 $0x1C05  }
0xce: {  	[timem:s3], [sflag:s2] =	dma.local @!p0 [hbm:s0], s1  }
0xcf: {  	s0 =	simm.s32 @!p0 $0x5  }
0xd0: {  	_ =	swait.ge @!p0 [sflag:s0], s1  }
0xd1: {  	s1 =	ssub.s32 @!p0 $0x0, s1;
	[sflag:s0] =	ssyncset.done @!p0 $0x0  }
0xd2: {  	[sflag:s0] =	ssyncadd.s32 @!p0 s1  }
0xd3: {  	[bflag:$0x3] =	sbarrier.arrive $0xFFFF  }
0xd4: {  	_ =	shalt  }

</sc_bundles>
